<compile_context>
chip_gen: v7x
topology: tpu7x:2x2x1
jax: 0.10.2.dev20260603
libtpu: 0.0.44.dev20260713+nightly
codegen_flags: <defaults>
</compile_context>

<pallas_src>
import functools

import jax
import jax.numpy as jnp
from jax import lax
from jax.experimental import pallas as pl
from jax.experimental.pallas import tpu as pltpu
from jax.experimental.pallas import tpu_sc as plsc

_B = 4096
_L = 200
_D = 64
_V = 1000000
_NC = 2
_NS = 16
_NW = _NC * _NS
_BPW = _B // _NW
_IPW = _BPW * _L
_RU = 8
_R = 4


@functools.partial(
    pl.kernel,
    mesh=plsc.VectorSubcoreMesh(core_axis_name="c", subcore_axis_name="s"),
    compiler_params=pltpu.CompilerParams(use_tc_tiling_on_sc=False),
    out_type=jax.ShapeDtypeStruct((_B, _D), jnp.float32),
    scratch_types=[
        pltpu.VMEM((_IPW,), jnp.int32),
        pltpu.VMEM((_R, _L, _D), jnp.float32),
        pltpu.VMEM((_BPW, _D), jnp.float32),
        pltpu.SemaphoreType.DMA,
        pltpu.SemaphoreType.DMA,
        pltpu.SemaphoreType.DMA,
        pltpu.SemaphoreType.DMA,
    ],
)
def _glove_bow_sc(x_hbm, tab_hbm, out_hbm, idx_v, rows_v, out_v,
                  sem0, sem1, sem2, sem3):
    wid = lax.axis_index("s") * _NC + lax.axis_index("c")
    base = wid * _BPW
    pltpu.sync_copy(x_hbm.at[pl.ds(base * _L, _IPW)], idx_v)

    sems = (sem0, sem1, sem2, sem3)

    def copies(b, slot):
        return (
            pltpu.make_async_copy(
                tab_hbm.at[idx_v.at[pl.ds(b * _L, _L)]],
                rows_v.at[slot],
                sems[slot],
            ),
        )

    def issue(b, slot):
        for cp in copies(b, slot):
            cp.start()

    def wait(b, slot):
        for cp in copies(b, slot):
            cp.wait()

    def reduce(b, slot):
        zero = jnp.zeros((16,), jnp.float32)

        def rbody(i, acc):
            l0 = i * _RU
            for u in range(_RU):
                l = l0 + u
                acc = tuple(
                    acc[j] + rows_v[slot, l, pl.ds(j * 16, 16)]
                    for j in range(4)
                )
            return acc

        acc = lax.fori_loop(0, _L // _RU, rbody, (zero,) * 4)
        for j in range(4):
            out_v[b, pl.ds(j * 16, 16)] = acc[j]

    def step(b, slot):
        nb = b + (_R - 1)

        @pl.when(nb < _BPW)
        def _():
            issue(nb, (slot + _R - 1) % _R)

        wait(b, slot)
        reduce(b, slot)

    for r in range(_R - 1):
        issue(r, r)

    def outer(o, carry):
        b0 = o * _R
        for k in range(_R):
            step(b0 + k, k)
        return carry

    lax.fori_loop(0, _BPW // _R, outer, 0)

    for k in range(_BPW - _BPW % _R, _BPW):
        step(k, k % _R)

    pltpu.sync_copy(out_v, out_hbm.at[pl.ds(base, _BPW)])


def kernel(x, embed_weight):
    return _glove_bow_sc(x.astype(jnp.int32).reshape(-1), embed_weight)

# --- scband reference (transcript-rebuilt; emitter-appended) ---
"""Pipeline reference for scband-glove-bow-encoder-84868553769279 (READ-ONLY COPY).

The authoritative reference and input builder live on the scoring server;
editing this copy changes nothing except your own understanding.
"""

import jax, jax.numpy as jnp
import numpy as np

VOCAB_SZ = 1000000
EMBED_SZ = 64
BATCH = 4096
HIST_LEN = 200

def setup_inputs(seed: int = 0) -> dict:
    key = jax.random.key(seed)
    k1, k2 = jax.random.split(key)
    x = jax.random.randint(k1, (BATCH, HIST_LEN), 0, VOCAB_SZ, dtype=jnp.int64 if jax.config.jax_enable_x64 else jnp.int32)
    embed_weight = jax.random.normal(k2, (VOCAB_SZ, EMBED_SZ), dtype=jnp.float32)
    return {"x": x, "embed_weight": embed_weight}

def reference(x, embed_weight):
    # GloveBowEncoder.forward: embedding lookup then sum over sequence dim
    emb = jnp.take(embed_weight, x, axis=0)  # [B, L, D]
    return emb.sum(axis=1)  # [B, D]

if __name__ == "__main__":
    import jax
    _d = setup_inputs()
    print(jax.jit(kernel)(*tuple(_d.values())))

</pallas_src>

<mosaic_0001>
#map = affine_map<(d0, d1) -> (0)>
#map1 = affine_map<(d0, d1) -> (0, 0)>
module attributes {stable_mosaic.version = 14 : i64} {
  func.func @_glove_bow_sc(%arg0: i32, %arg1: i32, %arg2: memref<819200xi32, #tpu.memory_space<hbm>>, %arg3: memref<1000000x64xf32, #tpu.memory_space<hbm>>, %arg4: memref<4096x64xf32, #tpu.memory_space<hbm>>, %arg5: memref<25600xi32, #tpu.memory_space<vmem>>, %arg6: memref<4x200x64xf32, #tpu.memory_space<vmem>>, %arg7: memref<128x64xf32, #tpu.memory_space<vmem>>, %arg8: memref<!tpu.dma_semaphore, #tpu.memory_space<semaphore_mem>>, %arg9: memref<!tpu.dma_semaphore, #tpu.memory_space<semaphore_mem>>, %arg10: memref<!tpu.dma_semaphore, #tpu.memory_space<semaphore_mem>>, %arg11: memref<!tpu.dma_semaphore, #tpu.memory_space<semaphore_mem>>) attributes {dimension_semantics = [#tpu.dimension_semantics<core_parallel>, #tpu.dimension_semantics<subcore_parallel>], iteration_bounds = array<i64: 2, 16>, scalar_prefetch = 0 : i64, scratch_operands = 7 : i64, tpu.core_type = #tpu.core_type<sc_vector_subcore>, window_params = [{transform_indices = #map}, {transform_indices = #map1}, {transform_indices = #map1}]} {
    %mul3A = arith.constant 2 : i32
    %mul3A_0 = arith.muli %arg1, %mul3A : i32
    %add3A = arith.addi %mul3A_0, %arg0 : i32
    %mul3A_1 = arith.constant 128 : i32
    %mul3A_2 = arith.muli %add3A, %mul3A_1 : i32
    %mul3A_3 = arith.constant 200 : i32
    %mul3A_4 = arith.muli %mul3A_2, %mul3A_3 : i32
    "tpu.region"() ({
      %run_scoped3A = tpu.sem_alloc : memref<!tpu.dma_semaphore, #tpu.memory_space<semaphore_mem>>
      %dma_start3A_39 = tpu.memref_slice %arg2[%mul3A_4] : memref<819200xi32, #tpu.memory_space<hbm>> -> memref<25600xi32, #tpu.memory_space<hbm>>
      %dma_start3A_40 = tpu.memref_slice %arg2[%mul3A_4] : memref<819200xi32, #tpu.memory_space<hbm>> -> memref<25600xi32, #tpu.memory_space<hbm>>
      tpu.enqueue_dma source(%dma_start3A_40 : memref<25600xi32, #tpu.memory_space<hbm>>) target(%arg5 : memref<25600xi32, #tpu.memory_space<vmem>>) target_semaphore(%run_scoped3A : memref<!tpu.dma_semaphore, #tpu.memory_space<semaphore_mem>>)
      %dma_wait3A = tpu.memref_slice %arg2[%mul3A_4] : memref<819200xi32, #tpu.memory_space<hbm>> -> memref<25600xi32, #tpu.memory_space<hbm>>
      %dma_wait3A_41 = tpu.memref_slice %arg2[%mul3A_4] : memref<819200xi32, #tpu.memory_space<hbm>> -> memref<25600xi32, #tpu.memory_space<hbm>>
      tpu.wait_dma2 semaphore(%run_scoped3A : memref<!tpu.dma_semaphore, #tpu.memory_space<semaphore_mem>>) src(%dma_wait3A_41 : memref<25600xi32, #tpu.memory_space<hbm>>) dst(%arg5 : memref<25600xi32, #tpu.memory_space<vmem>>)
      tpu.yield
    }) : () -> ()
    %dma_start3A = arith.constant 0 : i32
    %dma_start3A_5 = arith.constant 0 : i32
    %dma_start3A_6 = arith.constant 0 : i32
    %dma_start3A_7 = tpu.memref_slice %arg6[%dma_start3A, %dma_start3A_5, %dma_start3A_6] : memref<4x200x64xf32, #tpu.memory_space<vmem>> -> memref<1x200x64xf32, #tpu.memory_space<vmem>>
    %dma_start3A_8 = tpu.memref_squeeze %dma_start3A_7 : memref<1x200x64xf32, #tpu.memory_space<vmem>> -> memref<200x64xf32, #tpu.memory_space<vmem>>
    %dma_start3A_9 = arith.constant 0 : i32
    %dma_start3A_10 = tpu.memref_slice %arg5[%dma_start3A_9] : memref<25600xi32, #tpu.memory_space<vmem>> -> memref<200xi32, #tpu.memory_space<vmem>>
    %dma_start3A_11 = arith.constant 0 : i32
    %dma_start3A_12 = arith.constant 0 : i32
    %dma_start3A_13 = tpu.memref_slice %arg3[%dma_start3A_11, %dma_start3A_12] : memref<1000000x64xf32, #tpu.memory_space<hbm>> -> memref<1000000x64xf32, #tpu.memory_space<hbm>>
    tpu.enqueue_indirect_dma source(%dma_start3A_13 : memref<1000000x64xf32, #tpu.memory_space<hbm>>) target(%dma_start3A_8 : memref<200x64xf32, #tpu.memory_space<vmem>>) offsets(%dma_start3A_10 : memref<200xi32, #tpu.memory_space<vmem>>) semaphore(%arg8 : memref<!tpu.dma_semaphore, #tpu.memory_space<semaphore_mem>>)
    %dma_start3A_14 = arith.constant 1 : i32
    %dma_start3A_15 = arith.constant 0 : i32
    %dma_start3A_16 = arith.constant 0 : i32
    %dma_start3A_17 = tpu.memref_slice %arg6[%dma_start3A_14, %dma_start3A_15, %dma_start3A_16] : memref<4x200x64xf32, #tpu.memory_space<vmem>> -> memref<1x200x64xf32, #tpu.memory_space<vmem>>
    %dma_start3A_18 = tpu.memref_squeeze %dma_start3A_17 : memref<1x200x64xf32, #tpu.memory_space<vmem>> -> memref<200x64xf32, #tpu.memory_space<vmem>>
    %dma_start3A_19 = arith.constant 200 : i32
    %dma_start3A_20 = tpu.memref_slice %arg5[%dma_start3A_19] : memref<25600xi32, #tpu.memory_space<vmem>> -> memref<200xi32, #tpu.memory_space<vmem>>
    %dma_start3A_21 = arith.constant 0 : i32
    %dma_start3A_22 = arith.constant 0 : i32
    %dma_start3A_23 = tpu.memref_slice %arg3[%dma_start3A_21, %dma_start3A_22] : memref<1000000x64xf32, #tpu.memory_space<hbm>> -> memref<1000000x64xf32, #tpu.memory_space<hbm>>
    tpu.enqueue_indirect_dma source(%dma_start3A_23 : memref<1000000x64xf32, #tpu.memory_space<hbm>>) target(%dma_start3A_18 : memref<200x64xf32, #tpu.memory_space<vmem>>) offsets(%dma_start3A_20 : memref<200xi32, #tpu.memory_space<vmem>>) semaphore(%arg9 : memref<!tpu.dma_semaphore, #tpu.memory_space<semaphore_mem>>)
    %dma_start3A_24 = arith.constant 2 : i32
    %dma_start3A_25 = arith.constant 0 : i32
    %dma_start3A_26 = arith.constant 0 : i32
    %dma_start3A_27 = tpu.memref_slice %arg6[%dma_start3A_24, %dma_start3A_25, %dma_start3A_26] : memref<4x200x64xf32, #tpu.memory_space<vmem>> -> memref<1x200x64xf32, #tpu.memory_space<vmem>>
    %dma_start3A_28 = tpu.memref_squeeze %dma_start3A_27 : memref<1x200x64xf32, #tpu.memory_space<vmem>> -> memref<200x64xf32, #tpu.memory_space<vmem>>
    %dma_start3A_29 = arith.constant 400 : i32
    %dma_start3A_30 = tpu.memref_slice %arg5[%dma_start3A_29] : memref<25600xi32, #tpu.memory_space<vmem>> -> memref<200xi32, #tpu.memory_space<vmem>>
    %dma_start3A_31 = arith.constant 0 : i32
    %dma_start3A_32 = arith.constant 0 : i32
    %dma_start3A_33 = tpu.memref_slice %arg3[%dma_start3A_31, %dma_start3A_32] : memref<1000000x64xf32, #tpu.memory_space<hbm>> -> memref<1000000x64xf32, #tpu.memory_space<hbm>>
    tpu.enqueue_indirect_dma source(%dma_start3A_33 : memref<1000000x64xf32, #tpu.memory_space<hbm>>) target(%dma_start3A_28 : memref<200x64xf32, #tpu.memory_space<vmem>>) offsets(%dma_start3A_30 : memref<200xi32, #tpu.memory_space<vmem>>) semaphore(%arg10 : memref<!tpu.dma_semaphore, #tpu.memory_space<semaphore_mem>>)
    %scan3A = arith.constant 0 : i32
    %scan3A_34 = arith.constant 0 : i32
    %scan3A_35 = arith.constant 32 : i32
    %scan3A_36 = arith.addi %scan3A_34, %scan3A_35 : i32
    %scan3A_37 = arith.constant 1 : i32
    scf.for %scan3A_39 = %scan3A_34 to %scan3A_36 step %scan3A_37  : i32 {
      %mul3A_40 = arith.constant 4 : i32
      %mul3A_41 = arith.muli %scan3A_39, %mul3A_40 : i32
      %add3A_42 = arith.constant 0 : i32
      %add3A_43 = arith.addi %mul3A_41, %add3A_42 : i32
      %add3A_44 = arith.constant 3 : i32
      %add3A_45 = arith.addi %add3A_43, %add3A_44 : i32
      %lt3A = arith.constant 128 : i32
      %lt3A_46 = arith.cmpi slt, %add3A_45, %lt3A : i32
      %convert_element_type3A = arith.extui %lt3A_46 : i1 to i32
      %cond3A = arith.constant 0 : i32
      %cond3A_47 = arith.cmpi ne, %convert_element_type3A, %cond3A : i32
      scf.if %cond3A_47 {
        %mul3A_228 = arith.constant 200 : i32
        %mul3A_229 = arith.muli %add3A_45, %mul3A_228 : i32
        %dma_start3A_230 = arith.constant 3 : i32
        %dma_start3A_231 = arith.constant 0 : i32
        %dma_start3A_232 = arith.constant 0 : i32
        %dma_start3A_233 = tpu.memref_slice %arg6[%dma_start3A_230, %dma_start3A_231, %dma_start3A_232] : memref<4x200x64xf32, #tpu.memory_space<vmem>> -> memref<1x200x64xf32, #tpu.memory_space<vmem>>
        %dma_start3A_234 = tpu.memref_squeeze %dma_start3A_233 : memref<1x200x64xf32, #tpu.memory_space<vmem>> -> memref<200x64xf32, #tpu.memory_space<vmem>>
        %dma_start3A_235 = tpu.memref_slice %arg5[%mul3A_229] : memref<25600xi32, #tpu.memory_space<vmem>> -> memref<200xi32, #tpu.memory_space<vmem>>
        %dma_start3A_236 = arith.constant 0 : i32
        %dma_start3A_237 = arith.constant 0 : i32
        %dma_start3A_238 = tpu.memref_slice %arg3[%dma_start3A_236, %dma_start3A_237] : memref<1000000x64xf32, #tpu.memory_space<hbm>> -> memref<1000000x64xf32, #tpu.memory_space<hbm>>
        tpu.enqueue_indirect_dma source(%dma_start3A_238 : memref<1000000x64xf32, #tpu.memory_space<hbm>>) target(%dma_start3A_234 : memref<200x64xf32, #tpu.memory_space<vmem>>) offsets(%dma_start3A_235 : memref<200xi32, #tpu.memory_space<vmem>>) semaphore(%arg11 : memref<!tpu.dma_semaphore, #tpu.memory_space<semaphore_mem>>)
      } else {
      }
      %mul3A_48 = arith.constant 200 : i32
      %mul3A_49 = arith.muli %add3A_43, %mul3A_48 : i32
      %dma_wait3A = arith.constant 0 : i32
      %dma_wait3A_50 = arith.constant 0 : i32
      %dma_wait3A_51 = arith.constant 0 : i32
      %dma_wait3A_52 = tpu.memref_slice %arg6[%dma_wait3A, %dma_wait3A_50, %dma_wait3A_51] : memref<4x200x64xf32, #tpu.memory_space<vmem>> -> memref<1x200x64xf32, #tpu.memory_space<vmem>>
      %dma_wait3A_53 = tpu.memref_squeeze %dma_wait3A_52 : memref<1x200x64xf32, #tpu.memory_space<vmem>> -> memref<200x64xf32, #tpu.memory_space<vmem>>
      %dma_wait3A_54 = tpu.memref_slice %arg5[%mul3A_49] : memref<25600xi32, #tpu.memory_space<vmem>> -> memref<200xi32, #tpu.memory_space<vmem>>
      %dma_wait3A_55 = arith.constant 0 : i32
      %dma_wait3A_56 = arith.constant 0 : i32
      %dma_wait3A_57 = tpu.memref_slice %arg3[%dma_wait3A_55, %dma_wait3A_56] : memref<1000000x64xf32, #tpu.memory_space<hbm>> -> memref<1000000x64xf32, #tpu.memory_space<hbm>>
      tpu.wait_indirect_dma semaphore(%arg8 : memref<!tpu.dma_semaphore, #tpu.memory_space<semaphore_mem>>) src(%dma_wait3A_57 : memref<1000000x64xf32, #tpu.memory_space<hbm>>) dst(%dma_wait3A_53 : memref<200x64xf32, #tpu.memory_space<vmem>>)
      %broadcast_in_dim3A = arith.constant 0.000000e+00 : f32
      %broadcast_in_dim3A_58 = vector.broadcast %broadcast_in_dim3A : f32 to vector<16xf32>
      %scan3A_59 = arith.constant 0 : i32
      %scan3A_60 = arith.constant 25 : i32
      %scan3A_61 = arith.addi %scan3A_59, %scan3A_60 : i32
      %scan3A_62 = arith.constant 1 : i32
      %scan3A_63:4 = scf.for %scan3A_228 = %scan3A_59 to %scan3A_61 step %scan3A_62 iter_args(%scan3A_229 = %broadcast_in_dim3A_58, %scan3A_230 = %broadcast_in_dim3A_58, %scan3A_231 = %broadcast_in_dim3A_58, %scan3A_232 = %broadcast_in_dim3A_58) -> (vector<16xf32>, vector<16xf32>, vector<16xf32>, vector<16xf32>)  : i32 {
        %mul3A_233 = arith.constant 8 : i32
        %mul3A_234 = arith.muli %scan3A_228, %mul3A_233 : i32
        %add3A_235 = arith.constant 0 : i32
        %add3A_236 = arith.addi %mul3A_234, %add3A_235 : i32
        %get3A = arith.constant 0 : i32
        %get3A_237 = arith.index_cast %get3A : i32 to index
        %get3A_238 = arith.index_cast %add3A_236 : i32 to index
        %get3A_239 = arith.constant 0 : index
        %get3A_240 = tpu.vector_load %arg6[%get3A_237, %get3A_238, %get3A_239] {strides = array<i32>} : memref<4x200x64xf32, #tpu.memory_space<vmem>>, vector<1x1x16xf32>,
        %get3A_241 = vector.shape_cast %get3A_240 : vector<1x1x16xf32> to vector<16xf32>
        %add3A_242 = arith.addf %scan3A_229, %get3A_241 : vector<16xf32>
        %get3A_243 = arith.constant 0 : i32
        %get3A_244 = arith.index_cast %get3A_243 : i32 to index
        %get3A_245 = arith.index_cast %add3A_236 : i32 to index
        %get3A_246 = arith.constant 16 : index
        %get3A_247 = tpu.vector_load %arg6[%get3A_244, %get3A_245, %get3A_246] {strides = array<i32>} : memref<4x200x64xf32, #tpu.memory_space<vmem>>, vector<1x1x16xf32>,
        %get3A_248 = vector.shape_cast %get3A_247 : vector<1x1x16xf32> to vector<16xf32>
        %add3A_249 = arith.addf %scan3A_230, %get3A_248 : vector<16xf32>
        %get3A_250 = arith.constant 0 : i32
        %get3A_251 = arith.index_cast %get3A_250 : i32 to index
        %get3A_252 = arith.index_cast %add3A_236 : i32 to index
        %get3A_253 = arith.constant 32 : index
        %get3A_254 = tpu.vector_load %arg6[%get3A_251, %get3A_252, %get3A_253] {strides = array<i32>} : memref<4x200x64xf32, #tpu.memory_space<vmem>>, vector<1x1x16xf32>,
        %get3A_255 = vector.shape_cast %get3A_254 : vector<1x1x16xf32> to vector<16xf32>
        %add3A_256 = arith.addf %scan3A_231, %get3A_255 : vector<16xf32>
        %get3A_257 = arith.constant 0 : i32
        %get3A_258 = arith.index_cast %get3A_257 : i32 to index
        %get3A_259 = arith.index_cast %add3A_236 : i32 to index
        %get3A_260 = arith.constant 48 : index
        %get3A_261 = tpu.vector_load %arg6[%get3A_258, %get3A_259, %get3A_260] {strides = array<i32>} : memref<4x200x64xf32, #tpu.memory_space<vmem>>, vector<1x1x16xf32>,
        %get3A_262 = vector.shape_cast %get3A_261 : vector<1x1x16xf32> to vector<16xf32>
        %add3A_263 = arith.addf %scan3A_232, %get3A_262 : vector<16xf32>
        %add3A_264 = arith.constant 1 : i32
        %add3A_265 = arith.addi %mul3A_234, %add3A_264 : i32
        %get3A_266 = arith.constant 0 : i32
        %get3A_267 = arith.index_cast %get3A_266 : i32 to index
        %get3A_268 = arith.index_cast %add3A_265 : i32 to index
        %get3A_269 = arith.constant 0 : index
        %get3A_270 = tpu.vector_load %arg6[%get3A_267, %get3A_268, %get3A_269] {strides = array<i32>} : memref<4x200x64xf32, #tpu.memory_space<vmem>>, vector<1x1x16xf32>,
        %get3A_271 = vector.shape_cast %get3A_270 : vector<1x1x16xf32> to vector<16xf32>
        %add3A_272 = arith.addf %add3A_242, %get3A_271 : vector<16xf32>
        %get3A_273 = arith.constant 0 : i32
        %get3A_274 = arith.index_cast %get3A_273 : i32 to index
        %get3A_275 = arith.index_cast %add3A_265 : i32 to index
        %get3A_276 = arith.constant 16 : index
        %get3A_277 = tpu.vector_load %arg6[%get3A_274, %get3A_275, %get3A_276] {strides = array<i32>} : memref<4x200x64xf32, #tpu.memory_space<vmem>>, vector<1x1x16xf32>,
        %get3A_278 = vector.shape_cast %get3A_277 : vector<1x1x16xf32> to vector<16xf32>
        %add3A_279 = arith.addf %add3A_249, %get3A_278 : vector<16xf32>
        %get3A_280 = arith.constant 0 : i32
        %get3A_281 = arith.index_cast %get3A_280 : i32 to index
        %get3A_282 = arith.index_cast %add3A_265 : i32 to index
        %get3A_283 = arith.constant 32 : index
        %get3A_284 = tpu.vector_load %arg6[%get3A_281, %get3A_282, %get3A_283] {strides = array<i32>} : memref<4x200x64xf32, #tpu.memory_space<vmem>>, vector<1x1x16xf32>,
        %get3A_285 = vector.shape_cast %get3A_284 : vector<1x1x16xf32> to vector<16xf32>
        %add3A_286 = arith.addf %add3A_256, %get3A_285 : vector<16xf32>
        %get3A_287 = arith.constant 0 : i32
        %get3A_288 = arith.index_cast %get3A_287 : i32 to index
        %get3A_289 = arith.index_cast %add3A_265 : i32 to index
        %get3A_290 = arith.constant 48 : index
        %get3A_291 = tpu.vector_load %arg6[%get3A_288, %get3A_289, %get3A_290] {strides = array<i32>} : memref<4x200x64xf32, #tpu.memory_space<vmem>>, vector<1x1x16xf32>,
        %get3A_292 = vector.shape_cast %get3A_291 : vector<1x1x16xf32> to vector<16xf32>
        %add3A_293 = arith.addf %add3A_263, %get3A_292 : vector<16xf32>
        %add3A_294 = arith.constant 2 : i32
        %add3A_295 = arith.addi %mul3A_234, %add3A_294 : i32
        %get3A_296 = arith.constant 0 : i32
        %get3A_297 = arith.index_cast %get3A_296 : i32 to index
        %get3A_298 = arith.index_cast %add3A_295 : i32 to index
        %get3A_299 = arith.constant 0 : index
        %get3A_300 = tpu.vector_load %arg6[%get3A_297, %get3A_298, %get3A_299] {strides = array<i32>} : memref<4x200x64xf32, #tpu.memory_space<vmem>>, vector<1x1x16xf32>,
        %get3A_301 = vector.shape_cast %get3A_300 : vector<1x1x16xf32> to vector<16xf32>
        %add3A_302 = arith.addf %add3A_272, %get3A_301 : vector<16xf32>
        %get3A_303 = arith.constant 0 : i32
        %get3A_304 = arith.index_cast %get3A_303 : i32 to index
        %get3A_305 = arith.index_cast %add3A_295 : i32 to index
        %get3A_306 = arith.constant 16 : index
        %get3A_307 = tpu.vector_load %arg6[%get3A_304, %get3A_305, %get3A_306] {strides = array<i32>} : memref<4x200x64xf32, #tpu.memory_space<vmem>>, vector<1x1x16xf32>,
        %get3A_308 = vector.shape_cast %get3A_307 : vector<1x1x16xf32> to vector<16xf32>
        %add3A_309 = arith.addf %add3A_279, %get3A_308 : vector<16xf32>
        %get3A_310 = arith.constant 0 : i32
        %get3A_311 = arith.index_cast %get3A_310 : i32 to index
        %get3A_312 = arith.index_cast %add3A_295 : i32 to index
        %get3A_313 = arith.constant 32 : index
        %get3A_314 = tpu.vector_load %arg6[%get3A_311, %get3A_312, %get3A_313] {strides = array<i32>} : memref<4x200x64xf32, #tpu.memory_space<vmem>>, vector<1x1x16xf32>,
        %get3A_315 = vector.shape_cast %get3A_314 : vector<1x1x16xf32> to vector<16xf32>
        %add3A_316 = arith.addf %add3A_286, %get3A_315 : vector<16xf32>
        %get3A_317 = arith.constant 0 : i32
        %get3A_318 = arith.index_cast %get3A_317 : i32 to index
        %get3A_319 = arith.index_cast %add3A_295 : i32 to index
        %get3A_320 = arith.constant 48 : index
        %get3A_321 = tpu.vector_load %arg6[%get3A_318, %get3A_319, %get3A_320] {strides = array<i32>} : memref<4x200x64xf32, #tpu.memory_space<vmem>>, vector<1x1x16xf32>,
        %get3A_322 = vector.shape_cast %get3A_321 : vector<1x1x16xf32> to vector<16xf32>
        %add3A_323 = arith.addf %add3A_293, %get3A_322 : vector<16xf32>
        %add3A_324 = arith.constant 3 : i32
        %add3A_325 = arith.addi %mul3A_234, %add3A_324 : i32
        %get3A_326 = arith.constant 0 : i32
        %get3A_327 = arith.index_cast %get3A_326 : i32 to index
        %get3A_328 = arith.index_cast %add3A_325 : i32 to index
        %get3A_329 = arith.constant 0 : index
        %get3A_330 = tpu.vector_load %arg6[%get3A_327, %get3A_328, %get3A_329] {strides = array<i32>} : memref<4x200x64xf32, #tpu.memory_space<vmem>>, vector<1x1x16xf32>,
        %get3A_331 = vector.shape_cast %get3A_330 : vector<1x1x16xf32> to vector<16xf32>
        %add3A_332 = arith.addf %add3A_302, %get3A_331 : vector<16xf32>
        %get3A_333 = arith.constant 0 : i32
        %get3A_334 = arith.index_cast %get3A_333 : i32 to index
        %get3A_335 = arith.index_cast %add3A_325 : i32 to index
        %get3A_336 = arith.constant 16 : index
        %get3A_337 = tpu.vector_load %arg6[%get3A_334, %get3A_335, %get3A_336] {strides = array<i32>} : memref<4x200x64xf32, #tpu.memory_space<vmem>>, vector<1x1x16xf32>,
        %get3A_338 = vector.shape_cast %get3A_337 : vector<1x1x16xf32> to vector<16xf32>
        %add3A_339 = arith.addf %add3A_309, %get3A_338 : vector<16xf32>
        %get3A_340 = arith.constant 0 : i32
        %get3A_341 = arith.index_cast %get3A_340 : i32 to index
        %get3A_342 = arith.index_cast %add3A_325 : i32 to index
        %get3A_343 = arith.constant 32 : index
        %get3A_344 = tpu.vector_load %arg6[%get3A_341, %get3A_342, %get3A_343] {strides = array<i32>} : memref<4x200x64xf32, #tpu.memory_space<vmem>>, vector<1x1x16xf32>,
        %get3A_345 = vector.shape_cast %get3A_344 : vector<1x1x16xf32> to vector<16xf32>
        %add3A_346 = arith.addf %add3A_316, %get3A_345 : vector<16xf32>
        %get3A_347 = arith.constant 0 : i32
        %get3A_348 = arith.index_cast %get3A_347 : i32 to index
        %get3A_349 = arith.index_cast %add3A_325 : i32 to index
        %get3A_350 = arith.constant 48 : index
        %get3A_351 = tpu.vector_load %arg6[%get3A_348, %get3A_349, %get3A_350] {strides = array<i32>} : memref<4x200x64xf32, #tpu.memory_space<vmem>>, vector<1x1x16xf32>,
        %get3A_352 = vector.shape_cast %get3A_351 : vector<1x1x16xf32> to vector<16xf32>
        %add3A_353 = arith.addf %add3A_323, %get3A_352 : vector<16xf32>
        %add3A_354 = arith.constant 4 : i32
        %add3A_355 = arith.addi %mul3A_234, %add3A_354 : i32
        %get3A_356 = arith.constant 0 : i32
        %get3A_357 = arith.index_cast %get3A_356 : i32 to index
        %get3A_358 = arith.index_cast %add3A_355 : i32 to index
        %get3A_359 = arith.constant 0 : index
        %get3A_360 = tpu.vector_load %arg6[%get3A_357, %get3A_358, %get3A_359] {strides = array<i32>} : memref<4x200x64xf32, #tpu.memory_space<vmem>>, vector<1x1x16xf32>,
        %get3A_361 = vector.shape_cast %get3A_360 : vector<1x1x16xf32> to vector<16xf32>
        %add3A_362 = arith.addf %add3A_332, %get3A_361 : vector<16xf32>
        %get3A_363 = arith.constant 0 : i32
        %get3A_364 = arith.index_cast %get3A_363 : i32 to index
        %get3A_365 = arith.index_cast %add3A_355 : i32 to index
        %get3A_366 = arith.constant 16 : index
        %get3A_367 = tpu.vector_load %arg6[%get3A_364, %get3A_365, %get3A_366] {strides = array<i32>} : memref<4x200x64xf32, #tpu.memory_space<vmem>>, vector<1x1x16xf32>,
        %get3A_368 = vector.shape_cast %get3A_367 : vector<1x1x16xf32> to vector<16xf32>
        %add3A_369 = arith.addf %add3A_339, %get3A_368 : vector<16xf32>
        %get3A_370 = arith.constant 0 : i32
        %get3A_371 = arith.index_cast %get3A_370 : i32 to index
        %get3A_372 = arith.index_cast %add3A_355 : i32 to index
        %get3A_373 = arith.constant 32 : index
        %get3A_374 = tpu.vector_load %arg6[%get3A_371, %get3A_372, %get3A_373] {strides = array<i32>} : memref<4x200x64xf32, #tpu.memory_space<vmem>>, vector<1x1x16xf32>,
        %get3A_375 = vector.shape_cast %get3A_374 : vector<1x1x16xf32> to vector<16xf32>
        %add3A_376 = arith.addf %add3A_346, %get3A_375 : vector<16xf32>
        %get3A_377 = arith.constant 0 : i32
        %get3A_378 = arith.index_cast %get3A_377 : i32 to index
        %get3A_379 = arith.index_cast %add3A_355 : i32 to index
        %get3A_380 = arith.constant 48 : index
        %get3A_381 = tpu.vector_load %arg6[%get3A_378, %get3A_379, %get3A_380] {strides = array<i32>} : memref<4x200x64xf32, #tpu.memory_space<vmem>>, vector<1x1x16xf32>,
        %get3A_382 = vector.shape_cast %get3A_381 : vector<1x1x16xf32> to vector<16xf32>
        %add3A_383 = arith.addf %add3A_353, %get3A_382 : vector<16xf32>
        %add3A_384 = arith.constant 5 : i32
        %add3A_385 = arith.addi %mul3A_234, %add3A_384 : i32
        %get3A_386 = arith.constant 0 : i32
        %get3A_387 = arith.index_cast %get3A_386 : i32 to index
        %get3A_388 = arith.index_cast %add3A_385 : i32 to index
        %get3A_389 = arith.constant 0 : index
        %get3A_390 = tpu.vector_load %arg6[%get3A_387, %get3A_388, %get3A_389] {strides = array<i32>} : memref<4x200x64xf32, #tpu.memory_space<vmem>>, vector<1x1x16xf32>,
        %get3A_391 = vector.shape_cast %get3A_390 : vector<1x1x16xf32> to vector<16xf32>
        %add3A_392 = arith.addf %add3A_362, %get3A_391 : vector<16xf32>
        %get3A_393 = arith.constant 0 : i32
        %get3A_394 = arith.index_cast %get3A_393 : i32 to index
        %get3A_395 = arith.index_cast %add3A_385 : i32 to index
        %get3A_396 = arith.constant 16 : index
        %get3A_397 = tpu.vector_load %arg6[%get3A_394, %get3A_395, %get3A_396] {strides = array<i32>} : memref<4x200x64xf32, #tpu.memory_space<vmem>>, vector<1x1x16xf32>,
        %get3A_398 = vector.shape_cast %get3A_397 : vector<1x1x16xf32> to vector<16xf32>
        %add3A_399 = arith.addf %add3A_369, %get3A_398 : vector<16xf32>
        %get3A_400 = arith.constant 0 : i32
        %get3A_401 = arith.index_cast %get3A_400 : i32 to index
        %get3A_402 = arith.index_cast %add3A_385 : i32 to index
        %get3A_403 = arith.constant 32 : index
        %get3A_404 = tpu.vector_load %arg6[%get3A_401, %get3A_402, %get3A_403] {strides = array<i32>} : memref<4x200x64xf32, #tpu.memory_space<vmem>>, vector<1x1x16xf32>,
        %get3A_405 = vector.shape_cast %get3A_404 : vector<1x1x16xf32> to vector<16xf32>
        %add3A_406 = arith.addf %add3A_376, %get3A_405 : vector<16xf32>
        %get3A_407 = arith.constant 0 : i32
        %get3A_408 = arith.index_cast %get3A_407 : i32 to index
        %get3A_409 = arith.index_cast %add3A_385 : i32 to index
        %get3A_410 = arith.constant 48 : index
        %get3A_411 = tpu.vector_load %arg6[%get3A_408, %get3A_409, %get3A_410] {strides = array<i32>} : memref<4x200x64xf32, #tpu.memory_space<vmem>>, vector<1x1x16xf32>,
        %get3A_412 = vector.shape_cast %get3A_411 : vector<1x1x16xf32> to vector<16xf32>
        %add3A_413 = arith.addf %add3A_383, %get3A_412 : vector<16xf32>
        %add3A_414 = arith.constant 6 : i32
        %add3A_415 = arith.addi %mul3A_234, %add3A_414 : i32
        %get3A_416 = arith.constant 0 : i32
        %get3A_417 = arith.index_cast %get3A_416 : i32 to index
        %get3A_418 = arith.index_cast %add3A_415 : i32 to index
        %get3A_419 = arith.constant 0 : index
        %get3A_420 = tpu.vector_load %arg6[%get3A_417, %get3A_418, %get3A_419] {strides = array<i32>} : memref<4x200x64xf32, #tpu.memory_space<vmem>>, vector<1x1x16xf32>,
        %get3A_421 = vector.shape_cast %get3A_420 : vector<1x1x16xf32> to vector<16xf32>
        %add3A_422 = arith.addf %add3A_392, %get3A_421 : vector<16xf32>
        %get3A_423 = arith.constant 0 : i32
        %get3A_424 = arith.index_cast %get3A_423 : i32 to index
        %get3A_425 = arith.index_cast %add3A_415 : i32 to index
        %get3A_426 = arith.constant 16 : index
        %get3A_427 = tpu.vector_load %arg6[%get3A_424, %get3A_425, %get3A_426] {strides = array<i32>} : memref<4x200x64xf32, #tpu.memory_space<vmem>>, vector<1x1x16xf32>,
        %get3A_428 = vector.shape_cast %get3A_427 : vector<1x1x16xf32> to vector<16xf32>
        %add3A_429 = arith.addf %add3A_399, %get3A_428 : vector<16xf32>
        %get3A_430 = arith.constant 0 : i32
        %get3A_431 = arith.index_cast %get3A_430 : i32 to index
        %get3A_432 = arith.index_cast %add3A_415 : i32 to index
        %get3A_433 = arith.constant 32 : index
        %get3A_434 = tpu.vector_load %arg6[%get3A_431, %get3A_432, %get3A_433] {strides = array<i32>} : memref<4x200x64xf32, #tpu.memory_space<vmem>>, vector<1x1x16xf32>,
        %get3A_435 = vector.shape_cast %get3A_434 : vector<1x1x16xf32> to vector<16xf32>
        %add3A_436 = arith.addf %add3A_406, %get3A_435 : vector<16xf32>
        %get3A_437 = arith.constant 0 : i32
        %get3A_438 = arith.index_cast %get3A_437 : i32 to index
        %get3A_439 = arith.index_cast %add3A_415 : i32 to index
        %get3A_440 = arith.constant 48 : index
        %get3A_441 = tpu.vector_load %arg6[%get3A_438, %get3A_439, %get3A_440] {strides = array<i32>} : memref<4x200x64xf32, #tpu.memory_space<vmem>>, vector<1x1x16xf32>,
        %get3A_442 = vector.shape_cast %get3A_441 : vector<1x1x16xf32> to vector<16xf32>
        %add3A_443 = arith.addf %add3A_413, %get3A_442 : vector<16xf32>
        %add3A_444 = arith.constant 7 : i32
        %add3A_445 = arith.addi %mul3A_234, %add3A_444 : i32
        %get3A_446 = arith.constant 0 : i32
        %get3A_447 = arith.index_cast %get3A_446 : i32 to index
        %get3A_448 = arith.index_cast %add3A_445 : i32 to index
        %get3A_449 = arith.constant 0 : index
        %get3A_450 = tpu.vector_load %arg6[%get3A_447, %get3A_448, %get3A_449] {strides = array<i32>} : memref<4x200x64xf32, #tpu.memory_space<vmem>>, vector<1x1x16xf32>,
        %get3A_451 = vector.shape_cast %get3A_450 : vector<1x1x16xf32> to vector<16xf32>
        %add3A_452 = arith.addf %add3A_422, %get3A_451 : vector<16xf32>
        %get3A_453 = arith.constant 0 : i32
        %get3A_454 = arith.index_cast %get3A_453 : i32 to index
        %get3A_455 = arith.index_cast %add3A_445 : i32 to index
        %get3A_456 = arith.constant 16 : index
        %get3A_457 = tpu.vector_load %arg6[%get3A_454, %get3A_455, %get3A_456] {strides = array<i32>} : memref<4x200x64xf32, #tpu.memory_space<vmem>>, vector<1x1x16xf32>,
        %get3A_458 = vector.shape_cast %get3A_457 : vector<1x1x16xf32> to vector<16xf32>
        %add3A_459 = arith.addf %add3A_429, %get3A_458 : vector<16xf32>
        %get3A_460 = arith.constant 0 : i32
        %get3A_461 = arith.index_cast %get3A_460 : i32 to index
        %get3A_462 = arith.index_cast %add3A_445 : i32 to index
        %get3A_463 = arith.constant 32 : index
        %get3A_464 = tpu.vector_load %arg6[%get3A_461, %get3A_462, %get3A_463] {strides = array<i32>} : memref<4x200x64xf32, #tpu.memory_space<vmem>>, vector<1x1x16xf32>,
        %get3A_465 = vector.shape_cast %get3A_464 : vector<1x1x16xf32> to vector<16xf32>
        %add3A_466 = arith.addf %add3A_436, %get3A_465 : vector<16xf32>
        %get3A_467 = arith.constant 0 : i32
        %get3A_468 = arith.index_cast %get3A_467 : i32 to index
        %get3A_469 = arith.index_cast %add3A_445 : i32 to index
        %get3A_470 = arith.constant 48 : index
        %get3A_471 = tpu.vector_load %arg6[%get3A_468, %get3A_469, %get3A_470] {strides = array<i32>} : memref<4x200x64xf32, #tpu.memory_space<vmem>>, vector<1x1x16xf32>,
        %get3A_472 = vector.shape_cast %get3A_471 : vector<1x1x16xf32> to vector<16xf32>
        %add3A_473 = arith.addf %add3A_443, %get3A_472 : vector<16xf32>
        scf.yield %add3A_452, %add3A_459, %add3A_466, %add3A_473 : vector<16xf32>, vector<16xf32>, vector<16xf32>, vector<16xf32>
      }
      %scan3A_64 = arith.constant 25 : i32
      %swap3A = arith.index_cast %add3A_43 : i32 to index
      %swap3A_65 = arith.constant 0 : index
      %swap3A_66 = tpu.vector_load %arg7[%swap3A, %swap3A_65] {strides = array<i32>} : memref<128x64xf32, #tpu.memory_space<vmem>>, vector<1x16xf32>,
      %swap3A_67 = vector.shape_cast %swap3A_66 : vector<1x16xf32> to vector<16xf32>
      %swap3A_68 = vector.shape_cast %scan3A_63#0 : vector<16xf32> to vector<1x16xf32>
      tpu.vector_store %arg7[%swap3A, %swap3A_65], %swap3A_68 {strides = array<i32>} : memref<128x64xf32, #tpu.memory_space<vmem>>, vector<1x16xf32>,
      %swap3A_69 = arith.index_cast %add3A_43 : i32 to index
      %swap3A_70 = arith.constant 16 : index
      %swap3A_71 = tpu.vector_load %arg7[%swap3A_69, %swap3A_70] {strides = array<i32>} : memref<128x64xf32, #tpu.memory_space<vmem>>, vector<1x16xf32>,
      %swap3A_72 = vector.shape_cast %swap3A_71 : vector<1x16xf32> to vector<16xf32>
      %swap3A_73 = vector.shape_cast %scan3A_63#1 : vector<16xf32> to vector<1x16xf32>
      tpu.vector_store %arg7[%swap3A_69, %swap3A_70], %swap3A_73 {strides = array<i32>} : memref<128x64xf32, #tpu.memory_space<vmem>>, vector<1x16xf32>,
      %swap3A_74 = arith.index_cast %add3A_43 : i32 to index
      %swap3A_75 = arith.constant 32 : index
      %swap3A_76 = tpu.vector_load %arg7[%swap3A_74, %swap3A_75] {strides = array<i32>} : memref<128x64xf32, #tpu.memory_space<vmem>>, vector<1x16xf32>,
      %swap3A_77 = vector.shape_cast %swap3A_76 : vector<1x16xf32> to vector<16xf32>
      %swap3A_78 = vector.shape_cast %scan3A_63#2 : vector<16xf32> to vector<1x16xf32>
      tpu.vector_store %arg7[%swap3A_74, %swap3A_75], %swap3A_78 {strides = array<i32>} : memref<128x64xf32, #tpu.memory_space<vmem>>, vector<1x16xf32>,
      %swap3A_79 = arith.index_cast %add3A_43 : i32 to index
      %swap3A_80 = arith.constant 48 : index
      %swap3A_81 = tpu.vector_load %arg7[%swap3A_79, %swap3A_80] {strides = array<i32>} : memref<128x64xf32, #tpu.memory_space<vmem>>, vector<1x16xf32>,
      %swap3A_82 = vector.shape_cast %swap3A_81 : vector<1x16xf32> to vector<16xf32>
      %swap3A_83 = vector.shape_cast %scan3A_63#3 : vector<16xf32> to vector<1x16xf32>
      tpu.vector_store %arg7[%swap3A_79, %swap3A_80], %swap3A_83 {strides = array<i32>} : memref<128x64xf32, #tpu.memory_space<vmem>>, vector<1x16xf32>,
      %add3A_84 = arith.constant 1 : i32
      %add3A_85 = arith.addi %mul3A_41, %add3A_84 : i32
      %add3A_86 = arith.constant 3 : i32
      %add3A_87 = arith.addi %add3A_85, %add3A_86 : i32
      %lt3A_88 = arith.constant 128 : i32
      %lt3A_89 = arith.cmpi slt, %add3A_87, %lt3A_88 : i32
      %convert_element_type3A_90 = arith.extui %lt3A_89 : i1 to i32
      %cond3A_91 = arith.constant 0 : i32
      %cond3A_92 = arith.cmpi ne, %convert_element_type3A_90, %cond3A_91 : i32
      scf.if %cond3A_92 {
        %mul3A_228 = arith.constant 200 : i32
        %mul3A_229 = arith.muli %add3A_87, %mul3A_228 : i32
        %dma_start3A_230 = arith.constant 0 : i32
        %dma_start3A_231 = arith.constant 0 : i32
        %dma_start3A_232 = arith.constant 0 : i32
        %dma_start3A_233 = tpu.memref_slice %arg6[%dma_start3A_230, %dma_start3A_231, %dma_start3A_232] : memref<4x200x64xf32, #tpu.memory_space<vmem>> -> memref<1x200x64xf32, #tpu.memory_space<vmem>>
        %dma_start3A_234 = tpu.memref_squeeze %dma_start3A_233 : memref<1x200x64xf32, #tpu.memory_space<vmem>> -> memref<200x64xf32, #tpu.memory_space<vmem>>
        %dma_start3A_235 = tpu.memref_slice %arg5[%mul3A_229] : memref<25600xi32, #tpu.memory_space<vmem>> -> memref<200xi32, #tpu.memory_space<vmem>>
        %dma_start3A_236 = arith.constant 0 : i32
        %dma_start3A_237 = arith.constant 0 : i32
        %dma_start3A_238 = tpu.memref_slice %arg3[%dma_start3A_236, %dma_start3A_237] : memref<1000000x64xf32, #tpu.memory_space<hbm>> -> memref<1000000x64xf32, #tpu.memory_space<hbm>>
        tpu.enqueue_indirect_dma source(%dma_start3A_238 : memref<1000000x64xf32, #tpu.memory_space<hbm>>) target(%dma_start3A_234 : memref<200x64xf32, #tpu.memory_space<vmem>>) offsets(%dma_start3A_235 : memref<200xi32, #tpu.memory_space<vmem>>) semaphore(%arg8 : memref<!tpu.dma_semaphore, #tpu.memory_space<semaphore_mem>>)
      } else {
      }
      %mul3A_93 = arith.constant 200 : i32
      %mul3A_94 = arith.muli %add3A_85, %mul3A_93 : i32
      %dma_wait3A_95 = arith.constant 1 : i32
      %dma_wait3A_96 = arith.constant 0 : i32
      %dma_wait3A_97 = arith.constant 0 : i32
      %dma_wait3A_98 = tpu.memref_slice %arg6[%dma_wait3A_95, %dma_wait3A_96, %dma_wait3A_97] : memref<4x200x64xf32, #tpu.memory_space<vmem>> -> memref<1x200x64xf32, #tpu.memory_space<vmem>>
      %dma_wait3A_99 = tpu.memref_squeeze %dma_wait3A_98 : memref<1x200x64xf32, #tpu.memory_space<vmem>> -> memref<200x64xf32, #tpu.memory_space<vmem>>
      %dma_wait3A_100 = tpu.memref_slice %arg5[%mul3A_94] : memref<25600xi32, #tpu.memory_space<vmem>> -> memref<200xi32, #tpu.memory_space<vmem>>
      %dma_wait3A_101 = arith.constant 0 : i32
      %dma_wait3A_102 = arith.constant 0 : i32
      %dma_wait3A_103 = tpu.memref_slice %arg3[%dma_wait3A_101, %dma_wait3A_102] : memref<1000000x64xf32, #tpu.memory_space<hbm>> -> memref<1000000x64xf32, #tpu.memory_space<hbm>>
      tpu.wait_indirect_dma semaphore(%arg9 : memref<!tpu.dma_semaphore, #tpu.memory_space<semaphore_mem>>) src(%dma_wait3A_103 : memref<1000000x64xf32, #tpu.memory_space<hbm>>) dst(%dma_wait3A_99 : memref<200x64xf32, #tpu.memory_space<vmem>>)
      %broadcast_in_dim3A_104 = arith.constant 0.000000e+00 : f32
      %broadcast_in_dim3A_105 = vector.broadcast %broadcast_in_dim3A_104 : f32 to vector<16xf32>
      %scan3A_106 = arith.constant 0 : i32
      %scan3A_107 = arith.constant 25 : i32
      %scan3A_108 = arith.addi %scan3A_106, %scan3A_107 : i32
      %scan3A_109 = arith.constant 1 : i32
      %scan3A_110:4 = scf.for %scan3A_228 = %scan3A_106 to %scan3A_108 step %scan3A_109 iter_args(%scan3A_229 = %broadcast_in_dim3A_105, %scan3A_230 = %broadcast_in_dim3A_105, %scan3A_231 = %broadcast_in_dim3A_105, %scan3A_232 = %broadcast_in_dim3A_105) -> (vector<16xf32>, vector<16xf32>, vector<16xf32>, vector<16xf32>)  : i32 {
        %mul3A_233 = arith.constant 8 : i32
        %mul3A_234 = arith.muli %scan3A_228, %mul3A_233 : i32
        %add3A_235 = arith.constant 0 : i32
        %add3A_236 = arith.addi %mul3A_234, %add3A_235 : i32
        %get3A = arith.constant 1 : i32
        %get3A_237 = arith.index_cast %get3A : i32 to index
        %get3A_238 = arith.index_cast %add3A_236 : i32 to index
        %get3A_239 = arith.constant 0 : index
        %get3A_240 = tpu.vector_load %arg6[%get3A_237, %get3A_238, %get3A_239] {strides = array<i32>} : memref<4x200x64xf32, #tpu.memory_space<vmem>>, vector<1x1x16xf32>,
        %get3A_241 = vector.shape_cast %get3A_240 : vector<1x1x16xf32> to vector<16xf32>
        %add3A_242 = arith.addf %scan3A_229, %get3A_241 : vector<16xf32>
        %get3A_243 = arith.constant 1 : i32
        %get3A_244 = arith.index_cast %get3A_243 : i32 to index
        %get3A_245 = arith.index_cast %add3A_236 : i32 to index
        %get3A_246 = arith.constant 16 : index
        %get3A_247 = tpu.vector_load %arg6[%get3A_244, %get3A_245, %get3A_246] {strides = array<i32>} : memref<4x200x64xf32, #tpu.memory_space<vmem>>, vector<1x1x16xf32>,
        %get3A_248 = vector.shape_cast %get3A_247 : vector<1x1x16xf32> to vector<16xf32>
        %add3A_249 = arith.addf %scan3A_230, %get3A_248 : vector<16xf32>
        %get3A_250 = arith.constant 1 : i32
        %get3A_251 = arith.index_cast %get3A_250 : i32 to index
        %get3A_252 = arith.index_cast %add3A_236 : i32 to index
        %get3A_253 = arith.constant 32 : index
        %get3A_254 = tpu.vector_load %arg6[%get3A_251, %get3A_252, %get3A_253] {strides = array<i32>} : memref<4x200x64xf32, #tpu.memory_space<vmem>>, vector<1x1x16xf32>,
        %get3A_255 = vector.shape_cast %get3A_254 : vector<1x1x16xf32> to vector<16xf32>
        %add3A_256 = arith.addf %scan3A_231, %get3A_255 : vector<16xf32>
        %get3A_257 = arith.constant 1 : i32
        %get3A_258 = arith.index_cast %get3A_257 : i32 to index
        %get3A_259 = arith.index_cast %add3A_236 : i32 to index
        %get3A_260 = arith.constant 48 : index
        %get3A_261 = tpu.vector_load %arg6[%get3A_258, %get3A_259, %get3A_260] {strides = array<i32>} : memref<4x200x64xf32, #tpu.memory_space<vmem>>, vector<1x1x16xf32>,
        %get3A_262 = vector.shape_cast %get3A_261 : vector<1x1x16xf32> to vector<16xf32>
        %add3A_263 = arith.addf %scan3A_232, %get3A_262 : vector<16xf32>
        %add3A_264 = arith.constant 1 : i32
        %add3A_265 = arith.addi %mul3A_234, %add3A_264 : i32
        %get3A_266 = arith.constant 1 : i32
        %get3A_267 = arith.index_cast %get3A_266 : i32 to index
        %get3A_268 = arith.index_cast %add3A_265 : i32 to index
        %get3A_269 = arith.constant 0 : index
        %get3A_270 = tpu.vector_load %arg6[%get3A_267, %get3A_268, %get3A_269] {strides = array<i32>} : memref<4x200x64xf32, #tpu.memory_space<vmem>>, vector<1x1x16xf32>,
        %get3A_271 = vector.shape_cast %get3A_270 : vector<1x1x16xf32> to vector<16xf32>
        %add3A_272 = arith.addf %add3A_242, %get3A_271 : vector<16xf32>
        %get3A_273 = arith.constant 1 : i32
        %get3A_274 = arith.index_cast %get3A_273 : i32 to index
        %get3A_275 = arith.index_cast %add3A_265 : i32 to index
        %get3A_276 = arith.constant 16 : index
        %get3A_277 = tpu.vector_load %arg6[%get3A_274, %get3A_275, %get3A_276] {strides = array<i32>} : memref<4x200x64xf32, #tpu.memory_space<vmem>>, vector<1x1x16xf32>,
        %get3A_278 = vector.shape_cast %get3A_277 : vector<1x1x16xf32> to vector<16xf32>
        %add3A_279 = arith.addf %add3A_249, %get3A_278 : vector<16xf32>
        %get3A_280 = arith.constant 1 : i32
        %get3A_281 = arith.index_cast %get3A_280 : i32 to index
        %get3A_282 = arith.index_cast %add3A_265 : i32 to index
        %get3A_283 = arith.constant 32 : index
        %get3A_284 = tpu.vector_load %arg6[%get3A_281, %get3A_282, %get3A_283] {strides = array<i32>} : memref<4x200x64xf32, #tpu.memory_space<vmem>>, vector<1x1x16xf32>,
        %get3A_285 = vector.shape_cast %get3A_284 : vector<1x1x16xf32> to vector<16xf32>
        %add3A_286 = arith.addf %add3A_256, %get3A_285 : vector<16xf32>
        %get3A_287 = arith.constant 1 : i32
        %get3A_288 = arith.index_cast %get3A_287 : i32 to index
        %get3A_289 = arith.index_cast %add3A_265 : i32 to index
        %get3A_290 = arith.constant 48 : index
        %get3A_291 = tpu.vector_load %arg6[%get3A_288, %get3A_289, %get3A_290] {strides = array<i32>} : memref<4x200x64xf32, #tpu.memory_space<vmem>>, vector<1x1x16xf32>,
        %get3A_292 = vector.shape_cast %get3A_291 : vector<1x1x16xf32> to vector<16xf32>
        %add3A_293 = arith.addf %add3A_263, %get3A_292 : vector<16xf32>
        %add3A_294 = arith.constant 2 : i32
        %add3A_295 = arith.addi %mul3A_234, %add3A_294 : i32
        %get3A_296 = arith.constant 1 : i32
        %get3A_297 = arith.index_cast %get3A_296 : i32 to index
        %get3A_298 = arith.index_cast %add3A_295 : i32 to index
        %get3A_299 = arith.constant 0 : index
        %get3A_300 = tpu.vector_load %arg6[%get3A_297, %get3A_298, %get3A_299] {strides = array<i32>} : memref<4x200x64xf32, #tpu.memory_space<vmem>>, vector<1x1x16xf32>,
        %get3A_301 = vector.shape_cast %get3A_300 : vector<1x1x16xf32> to vector<16xf32>
        %add3A_302 = arith.addf %add3A_272, %get3A_301 : vector<16xf32>
        %get3A_303 = arith.constant 1 : i32
        %get3A_304 = arith.index_cast %get3A_303 : i32 to index
        %get3A_305 = arith.index_cast %add3A_295 : i32 to index
        %get3A_306 = arith.constant 16 : index
        %get3A_307 = tpu.vector_load %arg6[%get3A_304, %get3A_305, %get3A_306] {strides = array<i32>} : memref<4x200x64xf32, #tpu.memory_space<vmem>>, vector<1x1x16xf32>,
        %get3A_308 = vector.shape_cast %get3A_307 : vector<1x1x16xf32> to vector<16xf32>
        %add3A_309 = arith.addf %add3A_279, %get3A_308 : vector<16xf32>
        %get3A_310 = arith.constant 1 : i32
        %get3A_311 = arith.index_cast %get3A_310 : i32 to index
        %get3A_312 = arith.index_cast %add3A_295 : i32 to index
        %get3A_313 = arith.constant 32 : index
        %get3A_314 = tpu.vector_load %arg6[%get3A_311, %get3A_312, %get3A_313] {strides = array<i32>} : memref<4x200x64xf32, #tpu.memory_space<vmem>>, vector<1x1x16xf32>,
        %get3A_315 = vector.shape_cast %get3A_314 : vector<1x1x16xf32> to vector<16xf32>
        %add3A_316 = arith.addf %add3A_286, %get3A_315 : vector<16xf32>
        %get3A_317 = arith.constant 1 : i32
        %get3A_318 = arith.index_cast %get3A_317 : i32 to index
        %get3A_319 = arith.index_cast %add3A_295 : i32 to index
        %get3A_320 = arith.constant 48 : index
        %get3A_321 = tpu.vector_load %arg6[%get3A_318, %get3A_319, %get3A_320] {strides = array<i32>} : memref<4x200x64xf32, #tpu.memory_space<vmem>>, vector<1x1x16xf32>,
        %get3A_322 = vector.shape_cast %get3A_321 : vector<1x1x16xf32> to vector<16xf32>
        %add3A_323 = arith.addf %add3A_293, %get3A_322 : vector<16xf32>
        %add3A_324 = arith.constant 3 : i32
        %add3A_325 = arith.addi %mul3A_234, %add3A_324 : i32
        %get3A_326 = arith.constant 1 : i32
        %get3A_327 = arith.index_cast %get3A_326 : i32 to index
        %get3A_328 = arith.index_cast %add3A_325 : i32 to index
        %get3A_329 = arith.constant 0 : index
        %get3A_330 = tpu.vector_load %arg6[%get3A_327, %get3A_328, %get3A_329] {strides = array<i32>} : memref<4x200x64xf32, #tpu.memory_space<vmem>>, vector<1x1x16xf32>,
        %get3A_331 = vector.shape_cast %get3A_330 : vector<1x1x16xf32> to vector<16xf32>
        %add3A_332 = arith.addf %add3A_302, %get3A_331 : vector<16xf32>
        %get3A_333 = arith.constant 1 : i32
        %get3A_334 = arith.index_cast %get3A_333 : i32 to index
        %get3A_335 = arith.index_cast %add3A_325 : i32 to index
        %get3A_336 = arith.constant 16 : index
        %get3A_337 = tpu.vector_load %arg6[%get3A_334, %get3A_335, %get3A_336] {strides = array<i32>} : memref<4x200x64xf32, #tpu.memory_space<vmem>>, vector<1x1x16xf32>,
        %get3A_338 = vector.shape_cast %get3A_337 : vector<1x1x16xf32> to vector<16xf32>
        %add3A_339 = arith.addf %add3A_309, %get3A_338 : vector<16xf32>
        %get3A_340 = arith.constant 1 : i32
        %get3A_341 = arith.index_cast %get3A_340 : i32 to index
        %get3A_342 = arith.index_cast %add3A_325 : i32 to index
        %get3A_343 = arith.constant 32 : index
        %get3A_344 = tpu.vector_load %arg6[%get3A_341, %get3A_342, %get3A_343] {strides = array<i32>} : memref<4x200x64xf32, #tpu.memory_space<vmem>>, vector<1x1x16xf32>,
        %get3A_345 = vector.shape_cast %get3A_344 : vector<1x1x16xf32> to vector<16xf32>
        %add3A_346 = arith.addf %add3A_316, %get3A_345 : vector<16xf32>
        %get3A_347 = arith.constant 1 : i32
        %get3A_348 = arith.index_cast %get3A_347 : i32 to index
        %get3A_349 = arith.index_cast %add3A_325 : i32 to index
        %get3A_350 = arith.constant 48 : index
        %get3A_351 = tpu.vector_load %arg6[%get3A_348, %get3A_349, %get3A_350] {strides = array<i32>} : memref<4x200x64xf32, #tpu.memory_space<vmem>>, vector<1x1x16xf32>,
        %get3A_352 = vector.shape_cast %get3A_351 : vector<1x1x16xf32> to vector<16xf32>
        %add3A_353 = arith.addf %add3A_323, %get3A_352 : vector<16xf32>
        %add3A_354 = arith.constant 4 : i32
        %add3A_355 = arith.addi %mul3A_234, %add3A_354 : i32
        %get3A_356 = arith.constant 1 : i32
        %get3A_357 = arith.index_cast %get3A_356 : i32 to index
        %get3A_358 = arith.index_cast %add3A_355 : i32 to index
        %get3A_359 = arith.constant 0 : index
        %get3A_360 = tpu.vector_load %arg6[%get3A_357, %get3A_358, %get3A_359] {strides = array<i32>} : memref<4x200x64xf32, #tpu.memory_space<vmem>>, vector<1x1x16xf32>,
        %get3A_361 = vector.shape_cast %get3A_360 : vector<1x1x16xf32> to vector<16xf32>
        %add3A_362 = arith.addf %add3A_332, %get3A_361 : vector<16xf32>
        %get3A_363 = arith.constant 1 : i32
        %get3A_364 = arith.index_cast %get3A_363 : i32 to index
        %get3A_365 = arith.index_cast %add3A_355 : i32 to index
        %get3A_366 = arith.constant 16 : index
        %get3A_367 = tpu.vector_load %arg6[%get3A_364, %get3A_365, %get3A_366] {strides = array<i32>} : memref<4x200x64xf32, #tpu.memory_space<vmem>>, vector<1x1x16xf32>,
        %get3A_368 = vector.shape_cast %get3A_367 : vector<1x1x16xf32> to vector<16xf32>
        %add3A_369 = arith.addf %add3A_339, %get3A_368 : vector<16xf32>
        %get3A_370 = arith.constant 1 : i32
        %get3A_371 = arith.index_cast %get3A_370 : i32 to index
        %get3A_372 = arith.index_cast %add3A_355 : i32 to index
        %get3A_373 = arith.constant 32 : index
        %get3A_374 = tpu.vector_load %arg6[%get3A_371, %get3A_372, %get3A_373] {strides = array<i32>} : memref<4x200x64xf32, #tpu.memory_space<vmem>>, vector<1x1x16xf32>,
        %get3A_375 = vector.shape_cast %get3A_374 : vector<1x1x16xf32> to vector<16xf32>
        %add3A_376 = arith.addf %add3A_346, %get3A_375 : vector<16xf32>
        %get3A_377 = arith.constant 1 : i32
        %get3A_378 = arith.index_cast %get3A_377 : i32 to index
        %get3A_379 = arith.index_cast %add3A_355 : i32 to index
        %get3A_380 = arith.constant 48 : index
        %get3A_381 = tpu.vector_load %arg6[%get3A_378, %get3A_379, %get3A_380] {strides = array<i32>} : memref<4x200x64xf32, #tpu.memory_space<vmem>>, vector<1x1x16xf32>,
        %get3A_382 = vector.shape_cast %get3A_381 : vector<1x1x16xf32> to vector<16xf32>
        %add3A_383 = arith.addf %add3A_353, %get3A_382 : vector<16xf32>
        %add3A_384 = arith.constant 5 : i32
        %add3A_385 = arith.addi %mul3A_234, %add3A_384 : i32
        %get3A_386 = arith.constant 1 : i32
        %get3A_387 = arith.index_cast %get3A_386 : i32 to index
        %get3A_388 = arith.index_cast %add3A_385 : i32 to index
        %get3A_389 = arith.constant 0 : index
        %get3A_390 = tpu.vector_load %arg6[%get3A_387, %get3A_388, %get3A_389] {strides = array<i32>} : memref<4x200x64xf32, #tpu.memory_space<vmem>>, vector<1x1x16xf32>,
        %get3A_391 = vector.shape_cast %get3A_390 : vector<1x1x16xf32> to vector<16xf32>
        %add3A_392 = arith.addf %add3A_362, %get3A_391 : vector<16xf32>
        %get3A_393 = arith.constant 1 : i32
        %get3A_394 = arith.index_cast %get3A_393 : i32 to index
        %get3A_395 = arith.index_cast %add3A_385 : i32 to index
        %get3A_396 = arith.constant 16 : index
        %get3A_397 = tpu.vector_load %arg6[%get3A_394, %get3A_395, %get3A_396] {strides = array<i32>} : memref<4x200x64xf32, #tpu.memory_space<vmem>>, vector<1x1x16xf32>,
        %get3A_398 = vector.shape_cast %get3A_397 : vector<1x1x16xf32> to vector<16xf32>
        %add3A_399 = arith.addf %add3A_369, %get3A_398 : vector<16xf32>
        %get3A_400 = arith.constant 1 : i32
        %get3A_401 = arith.index_cast %get3A_400 : i32 to index
        %get3A_402 = arith.index_cast %add3A_385 : i32 to index
        %get3A_403 = arith.constant 32 : index
        %get3A_404 = tpu.vector_load %arg6[%get3A_401, %get3A_402, %get3A_403] {strides = array<i32>} : memref<4x200x64xf32, #tpu.memory_space<vmem>>, vector<1x1x16xf32>,
        %get3A_405 = vector.shape_cast %get3A_404 : vector<1x1x16xf32> to vector<16xf32>
        %add3A_406 = arith.addf %add3A_376, %get3A_405 : vector<16xf32>
        %get3A_407 = arith.constant 1 : i32
        %get3A_408 = arith.index_cast %get3A_407 : i32 to index
        %get3A_409 = arith.index_cast %add3A_385 : i32 to index
        %get3A_410 = arith.constant 48 : index
        %get3A_411 = tpu.vector_load %arg6[%get3A_408, %get3A_409, %get3A_410] {strides = array<i32>} : memref<4x200x64xf32, #tpu.memory_space<vmem>>, vector<1x1x16xf32>,
        %get3A_412 = vector.shape_cast %get3A_411 : vector<1x1x16xf32> to vector<16xf32>
        %add3A_413 = arith.addf %add3A_383, %get3A_412 : vector<16xf32>
        %add3A_414 = arith.constant 6 : i32
        %add3A_415 = arith.addi %mul3A_234, %add3A_414 : i32
        %get3A_416 = arith.constant 1 : i32
        %get3A_417 = arith.index_cast %get3A_416 : i32 to index
        %get3A_418 = arith.index_cast %add3A_415 : i32 to index
        %get3A_419 = arith.constant 0 : index
        %get3A_420 = tpu.vector_load %arg6[%get3A_417, %get3A_418, %get3A_419] {strides = array<i32>} : memref<4x200x64xf32, #tpu.memory_space<vmem>>, vector<1x1x16xf32>,
        %get3A_421 = vector.shape_cast %get3A_420 : vector<1x1x16xf32> to vector<16xf32>
        %add3A_422 = arith.addf %add3A_392, %get3A_421 : vector<16xf32>
        %get3A_423 = arith.constant 1 : i32
        %get3A_424 = arith.index_cast %get3A_423 : i32 to index
        %get3A_425 = arith.index_cast %add3A_415 : i32 to index
        %get3A_426 = arith.constant 16 : index
        %get3A_427 = tpu.vector_load %arg6[%get3A_424, %get3A_425, %get3A_426] {strides = array<i32>} : memref<4x200x64xf32, #tpu.memory_space<vmem>>, vector<1x1x16xf32>,
        %get3A_428 = vector.shape_cast %get3A_427 : vector<1x1x16xf32> to vector<16xf32>
        %add3A_429 = arith.addf %add3A_399, %get3A_428 : vector<16xf32>
        %get3A_430 = arith.constant 1 : i32
        %get3A_431 = arith.index_cast %get3A_430 : i32 to index
        %get3A_432 = arith.index_cast %add3A_415 : i32 to index
        %get3A_433 = arith.constant 32 : index
        %get3A_434 = tpu.vector_load %arg6[%get3A_431, %get3A_432, %get3A_433] {strides = array<i32>} : memref<4x200x64xf32, #tpu.memory_space<vmem>>, vector<1x1x16xf32>,
        %get3A_435 = vector.shape_cast %get3A_434 : vector<1x1x16xf32> to vector<16xf32>
        %add3A_436 = arith.addf %add3A_406, %get3A_435 : vector<16xf32>
        %get3A_437 = arith.constant 1 : i32
        %get3A_438 = arith.index_cast %get3A_437 : i32 to index
        %get3A_439 = arith.index_cast %add3A_415 : i32 to index
        %get3A_440 = arith.constant 48 : index
        %get3A_441 = tpu.vector_load %arg6[%get3A_438, %get3A_439, %get3A_440] {strides = array<i32>} : memref<4x200x64xf32, #tpu.memory_space<vmem>>, vector<1x1x16xf32>,
        %get3A_442 = vector.shape_cast %get3A_441 : vector<1x1x16xf32> to vector<16xf32>
        %add3A_443 = arith.addf %add3A_413, %get3A_442 : vector<16xf32>
        %add3A_444 = arith.constant 7 : i32
        %add3A_445 = arith.addi %mul3A_234, %add3A_444 : i32
        %get3A_446 = arith.constant 1 : i32
        %get3A_447 = arith.index_cast %get3A_446 : i32 to index
        %get3A_448 = arith.index_cast %add3A_445 : i32 to index
        %get3A_449 = arith.constant 0 : index
        %get3A_450 = tpu.vector_load %arg6[%get3A_447, %get3A_448, %get3A_449] {strides = array<i32>} : memref<4x200x64xf32, #tpu.memory_space<vmem>>, vector<1x1x16xf32>,
        %get3A_451 = vector.shape_cast %get3A_450 : vector<1x1x16xf32> to vector<16xf32>
        %add3A_452 = arith.addf %add3A_422, %get3A_451 : vector<16xf32>
        %get3A_453 = arith.constant 1 : i32
        %get3A_454 = arith.index_cast %get3A_453 : i32 to index
        %get3A_455 = arith.index_cast %add3A_445 : i32 to index
        %get3A_456 = arith.constant 16 : index
        %get3A_457 = tpu.vector_load %arg6[%get3A_454, %get3A_455, %get3A_456] {strides = array<i32>} : memref<4x200x64xf32, #tpu.memory_space<vmem>>, vector<1x1x16xf32>,
        %get3A_458 = vector.shape_cast %get3A_457 : vector<1x1x16xf32> to vector<16xf32>
        %add3A_459 = arith.addf %add3A_429, %get3A_458 : vector<16xf32>
        %get3A_460 = arith.constant 1 : i32
        %get3A_461 = arith.index_cast %get3A_460 : i32 to index
        %get3A_462 = arith.index_cast %add3A_445 : i32 to index
        %get3A_463 = arith.constant 32 : index
        %get3A_464 = tpu.vector_load %arg6[%get3A_461, %get3A_462, %get3A_463] {strides = array<i32>} : memref<4x200x64xf32, #tpu.memory_space<vmem>>, vector<1x1x16xf32>,
        %get3A_465 = vector.shape_cast %get3A_464 : vector<1x1x16xf32> to vector<16xf32>
        %add3A_466 = arith.addf %add3A_436, %get3A_465 : vector<16xf32>
        %get3A_467 = arith.constant 1 : i32
        %get3A_468 = arith.index_cast %get3A_467 : i32 to index
        %get3A_469 = arith.index_cast %add3A_445 : i32 to index
        %get3A_470 = arith.constant 48 : index
        %get3A_471 = tpu.vector_load %arg6[%get3A_468, %get3A_469, %get3A_470] {strides = array<i32>} : memref<4x200x64xf32, #tpu.memory_space<vmem>>, vector<1x1x16xf32>,
        %get3A_472 = vector.shape_cast %get3A_471 : vector<1x1x16xf32> to vector<16xf32>
        %add3A_473 = arith.addf %add3A_443, %get3A_472 : vector<16xf32>
        scf.yield %add3A_452, %add3A_459, %add3A_466, %add3A_473 : vector<16xf32>, vector<16xf32>, vector<16xf32>, vector<16xf32>
      }
      %scan3A_111 = arith.constant 25 : i32
      %swap3A_112 = arith.index_cast %add3A_85 : i32 to index
      %swap3A_113 = arith.constant 0 : index
      %swap3A_114 = tpu.vector_load %arg7[%swap3A_112, %swap3A_113] {strides = array<i32>} : memref<128x64xf32, #tpu.memory_space<vmem>>, vector<1x16xf32>,
      %swap3A_115 = vector.shape_cast %swap3A_114 : vector<1x16xf32> to vector<16xf32>
      %swap3A_116 = vector.shape_cast %scan3A_110#0 : vector<16xf32> to vector<1x16xf32>
      tpu.vector_store %arg7[%swap3A_112, %swap3A_113], %swap3A_116 {strides = array<i32>} : memref<128x64xf32, #tpu.memory_space<vmem>>, vector<1x16xf32>,
      %swap3A_117 = arith.index_cast %add3A_85 : i32 to index
      %swap3A_118 = arith.constant 16 : index
      %swap3A_119 = tpu.vector_load %arg7[%swap3A_117, %swap3A_118] {strides = array<i32>} : memref<128x64xf32, #tpu.memory_space<vmem>>, vector<1x16xf32>,
      %swap3A_120 = vector.shape_cast %swap3A_119 : vector<1x16xf32> to vector<16xf32>
      %swap3A_121 = vector.shape_cast %scan3A_110#1 : vector<16xf32> to vector<1x16xf32>
      tpu.vector_store %arg7[%swap3A_117, %swap3A_118], %swap3A_121 {strides = array<i32>} : memref<128x64xf32, #tpu.memory_space<vmem>>, vector<1x16xf32>,
      %swap3A_122 = arith.index_cast %add3A_85 : i32 to index
      %swap3A_123 = arith.constant 32 : index
      %swap3A_124 = tpu.vector_load %arg7[%swap3A_122, %swap3A_123] {strides = array<i32>} : memref<128x64xf32, #tpu.memory_space<vmem>>, vector<1x16xf32>,
      %swap3A_125 = vector.shape_cast %swap3A_124 : vector<1x16xf32> to vector<16xf32>
      %swap3A_126 = vector.shape_cast %scan3A_110#2 : vector<16xf32> to vector<1x16xf32>
      tpu.vector_store %arg7[%swap3A_122, %swap3A_123], %swap3A_126 {strides = array<i32>} : memref<128x64xf32, #tpu.memory_space<vmem>>, vector<1x16xf32>,
      %swap3A_127 = arith.index_cast %add3A_85 : i32 to index
      %swap3A_128 = arith.constant 48 : index
      %swap3A_129 = tpu.vector_load %arg7[%swap3A_127, %swap3A_128] {strides = array<i32>} : memref<128x64xf32, #tpu.memory_space<vmem>>, vector<1x16xf32>,
      %swap3A_130 = vector.shape_cast %swap3A_129 : vector<1x16xf32> to vector<16xf32>
      %swap3A_131 = vector.shape_cast %scan3A_110#3 : vector<16xf32> to vector<1x16xf32>
      tpu.vector_store %arg7[%swap3A_127, %swap3A_128], %swap3A_131 {strides = array<i32>} : memref<128x64xf32, #tpu.memory_space<vmem>>, vector<1x16xf32>,
      %add3A_132 = arith.constant 2 : i32
      %add3A_133 = arith.addi %mul3A_41, %add3A_132 : i32
      %add3A_134 = arith.constant 3 : i32
      %add3A_135 = arith.addi %add3A_133, %add3A_134 : i32
      %lt3A_136 = arith.constant 128 : i32
      %lt3A_137 = arith.cmpi slt, %add3A_135, %lt3A_136 : i32
      %convert_element_type3A_138 = arith.extui %lt3A_137 : i1 to i32
      %cond3A_139 = arith.constant 0 : i32
      %cond3A_140 = arith.cmpi ne, %convert_element_type3A_138, %cond3A_139 : i32
      scf.if %cond3A_140 {
        %mul3A_228 = arith.constant 200 : i32
        %mul3A_229 = arith.muli %add3A_135, %mul3A_228 : i32
        %dma_start3A_230 = arith.constant 1 : i32
        %dma_start3A_231 = arith.constant 0 : i32
        %dma_start3A_232 = arith.constant 0 : i32
        %dma_start3A_233 = tpu.memref_slice %arg6[%dma_start3A_230, %dma_start3A_231, %dma_start3A_232] : memref<4x200x64xf32, #tpu.memory_space<vmem>> -> memref<1x200x64xf32, #tpu.memory_space<vmem>>
        %dma_start3A_234 = tpu.memref_squeeze %dma_start3A_233 : memref<1x200x64xf32, #tpu.memory_space<vmem>> -> memref<200x64xf32, #tpu.memory_space<vmem>>
        %dma_start3A_235 = tpu.memref_slice %arg5[%mul3A_229] : memref<25600xi32, #tpu.memory_space<vmem>> -> memref<200xi32, #tpu.memory_space<vmem>>
        %dma_start3A_236 = arith.constant 0 : i32
        %dma_start3A_237 = arith.constant 0 : i32
        %dma_start3A_238 = tpu.memref_slice %arg3[%dma_start3A_236, %dma_start3A_237] : memref<1000000x64xf32, #tpu.memory_space<hbm>> -> memref<1000000x64xf32, #tpu.memory_space<hbm>>
        tpu.enqueue_indirect_dma source(%dma_start3A_238 : memref<1000000x64xf32, #tpu.memory_space<hbm>>) target(%dma_start3A_234 : memref<200x64xf32, #tpu.memory_space<vmem>>) offsets(%dma_start3A_235 : memref<200xi32, #tpu.memory_space<vmem>>) semaphore(%arg9 : memref<!tpu.dma_semaphore, #tpu.memory_space<semaphore_mem>>)
      } else {
      }
      %mul3A_141 = arith.constant 200 : i32
      %mul3A_142 = arith.muli %add3A_133, %mul3A_141 : i32
      %dma_wait3A_143 = arith.constant 2 : i32
      %dma_wait3A_144 = arith.constant 0 : i32
      %dma_wait3A_145 = arith.constant 0 : i32
      %dma_wait3A_146 = tpu.memref_slice %arg6[%dma_wait3A_143, %dma_wait3A_144, %dma_wait3A_145] : memref<4x200x64xf32, #tpu.memory_space<vmem>> -> memref<1x200x64xf32, #tpu.memory_space<vmem>>
      %dma_wait3A_147 = tpu.memref_squeeze %dma_wait3A_146 : memref<1x200x64xf32, #tpu.memory_space<vmem>> -> memref<200x64xf32, #tpu.memory_space<vmem>>
      %dma_wait3A_148 = tpu.memref_slice %arg5[%mul3A_142] : memref<25600xi32, #tpu.memory_space<vmem>> -> memref<200xi32, #tpu.memory_space<vmem>>
      %dma_wait3A_149 = arith.constant 0 : i32
      %dma_wait3A_150 = arith.constant 0 : i32
      %dma_wait3A_151 = tpu.memref_slice %arg3[%dma_wait3A_149, %dma_wait3A_150] : memref<1000000x64xf32, #tpu.memory_space<hbm>> -> memref<1000000x64xf32, #tpu.memory_space<hbm>>
      tpu.wait_indirect_dma semaphore(%arg10 : memref<!tpu.dma_semaphore, #tpu.memory_space<semaphore_mem>>) src(%dma_wait3A_151 : memref<1000000x64xf32, #tpu.memory_space<hbm>>) dst(%dma_wait3A_147 : memref<200x64xf32, #tpu.memory_space<vmem>>)
      %broadcast_in_dim3A_152 = arith.constant 0.000000e+00 : f32
      %broadcast_in_dim3A_153 = vector.broadcast %broadcast_in_dim3A_152 : f32 to vector<16xf32>
      %scan3A_154 = arith.constant 0 : i32
      %scan3A_155 = arith.constant 25 : i32
      %scan3A_156 = arith.addi %scan3A_154, %scan3A_155 : i32
      %scan3A_157 = arith.constant 1 : i32
      %scan3A_158:4 = scf.for %scan3A_228 = %scan3A_154 to %scan3A_156 step %scan3A_157 iter_args(%scan3A_229 = %broadcast_in_dim3A_153, %scan3A_230 = %broadcast_in_dim3A_153, %scan3A_231 = %broadcast_in_dim3A_153, %scan3A_232 = %broadcast_in_dim3A_153) -> (vector<16xf32>, vector<16xf32>, vector<16xf32>, vector<16xf32>)  : i32 {
        %mul3A_233 = arith.constant 8 : i32
        %mul3A_234 = arith.muli %scan3A_228, %mul3A_233 : i32
        %add3A_235 = arith.constant 0 : i32
        %add3A_236 = arith.addi %mul3A_234, %add3A_235 : i32
        %get3A = arith.constant 2 : i32
        %get3A_237 = arith.index_cast %get3A : i32 to index
        %get3A_238 = arith.index_cast %add3A_236 : i32 to index
        %get3A_239 = arith.constant 0 : index
        %get3A_240 = tpu.vector_load %arg6[%get3A_237, %get3A_238, %get3A_239] {strides = array<i32>} : memref<4x200x64xf32, #tpu.memory_space<vmem>>, vector<1x1x16xf32>,
        %get3A_241 = vector.shape_cast %get3A_240 : vector<1x1x16xf32> to vector<16xf32>
        %add3A_242 = arith.addf %scan3A_229, %get3A_241 : vector<16xf32>
        %get3A_243 = arith.constant 2 : i32
        %get3A_244 = arith.index_cast %get3A_243 : i32 to index
        %get3A_245 = arith.index_cast %add3A_236 : i32 to index
        %get3A_246 = arith.constant 16 : index
        %get3A_247 = tpu.vector_load %arg6[%get3A_244, %get3A_245, %get3A_246] {strides = array<i32>} : memref<4x200x64xf32, #tpu.memory_space<vmem>>, vector<1x1x16xf32>,
        %get3A_248 = vector.shape_cast %get3A_247 : vector<1x1x16xf32> to vector<16xf32>
        %add3A_249 = arith.addf %scan3A_230, %get3A_248 : vector<16xf32>
        %get3A_250 = arith.constant 2 : i32
        %get3A_251 = arith.index_cast %get3A_250 : i32 to index
        %get3A_252 = arith.index_cast %add3A_236 : i32 to index
        %get3A_253 = arith.constant 32 : index
        %get3A_254 = tpu.vector_load %arg6[%get3A_251, %get3A_252, %get3A_253] {strides = array<i32>} : memref<4x200x64xf32, #tpu.memory_space<vmem>>, vector<1x1x16xf32>,
        %get3A_255 = vector.shape_cast %get3A_254 : vector<1x1x16xf32> to vector<16xf32>
        %add3A_256 = arith.addf %scan3A_231, %get3A_255 : vector<16xf32>
        %get3A_257 = arith.constant 2 : i32
        %get3A_258 = arith.index_cast %get3A_257 : i32 to index
        %get3A_259 = arith.index_cast %add3A_236 : i32 to index
        %get3A_260 = arith.constant 48 : index
        %get3A_261 = tpu.vector_load %arg6[%get3A_258, %get3A_259, %get3A_260] {strides = array<i32>} : memref<4x200x64xf32, #tpu.memory_space<vmem>>, vector<1x1x16xf32>,
        %get3A_262 = vector.shape_cast %get3A_261 : vector<1x1x16xf32> to vector<16xf32>
        %add3A_263 = arith.addf %scan3A_232, %get3A_262 : vector<16xf32>
        %add3A_264 = arith.constant 1 : i32
        %add3A_265 = arith.addi %mul3A_234, %add3A_264 : i32
        %get3A_266 = arith.constant 2 : i32
        %get3A_267 = arith.index_cast %get3A_266 : i32 to index
        %get3A_268 = arith.index_cast %add3A_265 : i32 to index
        %get3A_269 = arith.constant 0 : index
        %get3A_270 = tpu.vector_load %arg6[%get3A_267, %get3A_268, %get3A_269] {strides = array<i32>} : memref<4x200x64xf32, #tpu.memory_space<vmem>>, vector<1x1x16xf32>,
        %get3A_271 = vector.shape_cast %get3A_270 : vector<1x1x16xf32> to vector<16xf32>
        %add3A_272 = arith.addf %add3A_242, %get3A_271 : vector<16xf32>
        %get3A_273 = arith.constant 2 : i32
        %get3A_274 = arith.index_cast %get3A_273 : i32 to index
        %get3A_275 = arith.index_cast %add3A_265 : i32 to index
        %get3A_276 = arith.constant 16 : index
        %get3A_277 = tpu.vector_load %arg6[%get3A_274, %get3A_275, %get3A_276] {strides = array<i32>} : memref<4x200x64xf32, #tpu.memory_space<vmem>>, vector<1x1x16xf32>,
        %get3A_278 = vector.shape_cast %get3A_277 : vector<1x1x16xf32> to vector<16xf32>
        %add3A_279 = arith.addf %add3A_249, %get3A_278 : vector<16xf32>
        %get3A_280 = arith.constant 2 : i32
        %get3A_281 = arith.index_cast %get3A_280 : i32 to index
        %get3A_282 = arith.index_cast %add3A_265 : i32 to index
        %get3A_283 = arith.constant 32 : index
        %get3A_284 = tpu.vector_load %arg6[%get3A_281, %get3A_282, %get3A_283] {strides = array<i32>} : memref<4x200x64xf32, #tpu.memory_space<vmem>>, vector<1x1x16xf32>,
        %get3A_285 = vector.shape_cast %get3A_284 : vector<1x1x16xf32> to vector<16xf32>
        %add3A_286 = arith.addf %add3A_256, %get3A_285 : vector<16xf32>
        %get3A_287 = arith.constant 2 : i32
        %get3A_288 = arith.index_cast %get3A_287 : i32 to index
        %get3A_289 = arith.index_cast %add3A_265 : i32 to index
        %get3A_290 = arith.constant 48 : index
        %get3A_291 = tpu.vector_load %arg6[%get3A_288, %get3A_289, %get3A_290] {strides = array<i32>} : memref<4x200x64xf32, #tpu.memory_space<vmem>>, vector<1x1x16xf32>,
        %get3A_292 = vector.shape_cast %get3A_291 : vector<1x1x16xf32> to vector<16xf32>
        %add3A_293 = arith.addf %add3A_263, %get3A_292 : vector<16xf32>
        %add3A_294 = arith.constant 2 : i32
        %add3A_295 = arith.addi %mul3A_234, %add3A_294 : i32
        %get3A_296 = arith.constant 2 : i32
        %get3A_297 = arith.index_cast %get3A_296 : i32 to index
        %get3A_298 = arith.index_cast %add3A_295 : i32 to index
        %get3A_299 = arith.constant 0 : index
        %get3A_300 = tpu.vector_load %arg6[%get3A_297, %get3A_298, %get3A_299] {strides = array<i32>} : memref<4x200x64xf32, #tpu.memory_space<vmem>>, vector<1x1x16xf32>,
        %get3A_301 = vector.shape_cast %get3A_300 : vector<1x1x16xf32> to vector<16xf32>
        %add3A_302 = arith.addf %add3A_272, %get3A_301 : vector<16xf32>
        %get3A_303 = arith.constant 2 : i32
        %get3A_304 = arith.index_cast %get3A_303 : i32 to index
        %get3A_305 = arith.index_cast %add3A_295 : i32 to index
        %get3A_306 = arith.constant 16 : index
        %get3A_307 = tpu.vector_load %arg6[%get3A_304, %get3A_305, %get3A_306] {strides = array<i32>} : memref<4x200x64xf32, #tpu.memory_space<vmem>>, vector<1x1x16xf32>,
        %get3A_308 = vector.shape_cast %get3A_307 : vector<1x1x16xf32> to vector<16xf32>
        %add3A_309 = arith.addf %add3A_279, %get3A_308 : vector<16xf32>
        %get3A_310 = arith.constant 2 : i32
        %get3A_311 = arith.index_cast %get3A_310 : i32 to index
        %get3A_312 = arith.index_cast %add3A_295 : i32 to index
        %get3A_313 = arith.constant 32 : index
        %get3A_314 = tpu.vector_load %arg6[%get3A_311, %get3A_312, %get3A_313] {strides = array<i32>} : memref<4x200x64xf32, #tpu.memory_space<vmem>>, vector<1x1x16xf32>,
        %get3A_315 = vector.shape_cast %get3A_314 : vector<1x1x16xf32> to vector<16xf32>
        %add3A_316 = arith.addf %add3A_286, %get3A_315 : vector<16xf32>
        %get3A_317 = arith.constant 2 : i32
        %get3A_318 = arith.index_cast %get3A_317 : i32 to index
        %get3A_319 = arith.index_cast %add3A_295 : i32 to index
        %get3A_320 = arith.constant 48 : index
        %get3A_321 = tpu.vector_load %arg6[%get3A_318, %get3A_319, %get3A_320] {strides = array<i32>} : memref<4x200x64xf32, #tpu.memory_space<vmem>>, vector<1x1x16xf32>,
        %get3A_322 = vector.shape_cast %get3A_321 : vector<1x1x16xf32> to vector<16xf32>
        %add3A_323 = arith.addf %add3A_293, %get3A_322 : vector<16xf32>
        %add3A_324 = arith.constant 3 : i32
        %add3A_325 = arith.addi %mul3A_234, %add3A_324 : i32
        %get3A_326 = arith.constant 2 : i32
        %get3A_327 = arith.index_cast %get3A_326 : i32 to index
        %get3A_328 = arith.index_cast %add3A_325 : i32 to index
        %get3A_329 = arith.constant 0 : index
        %get3A_330 = tpu.vector_load %arg6[%get3A_327, %get3A_328, %get3A_329] {strides = array<i32>} : memref<4x200x64xf32, #tpu.memory_space<vmem>>, vector<1x1x16xf32>,
        %get3A_331 = vector.shape_cast %get3A_330 : vector<1x1x16xf32> to vector<16xf32>
        %add3A_332 = arith.addf %add3A_302, %get3A_331 : vector<16xf32>
        %get3A_333 = arith.constant 2 : i32
        %get3A_334 = arith.index_cast %get3A_333 : i32 to index
        %get3A_335 = arith.index_cast %add3A_325 : i32 to index
        %get3A_336 = arith.constant 16 : index
        %get3A_337 = tpu.vector_load %arg6[%get3A_334, %get3A_335, %get3A_336] {strides = array<i32>} : memref<4x200x64xf32, #tpu.memory_space<vmem>>, vector<1x1x16xf32>,
        %get3A_338 = vector.shape_cast %get3A_337 : vector<1x1x16xf32> to vector<16xf32>
        %add3A_339 = arith.addf %add3A_309, %get3A_338 : vector<16xf32>
        %get3A_340 = arith.constant 2 : i32
        %get3A_341 = arith.index_cast %get3A_340 : i32 to index
        %get3A_342 = arith.index_cast %add3A_325 : i32 to index
        %get3A_343 = arith.constant 32 : index
        %get3A_344 = tpu.vector_load %arg6[%get3A_341, %get3A_342, %get3A_343] {strides = array<i32>} : memref<4x200x64xf32, #tpu.memory_space<vmem>>, vector<1x1x16xf32>,
        %get3A_345 = vector.shape_cast %get3A_344 : vector<1x1x16xf32> to vector<16xf32>
        %add3A_346 = arith.addf %add3A_316, %get3A_345 : vector<16xf32>
        %get3A_347 = arith.constant 2 : i32
        %get3A_348 = arith.index_cast %get3A_347 : i32 to index
        %get3A_349 = arith.index_cast %add3A_325 : i32 to index
        %get3A_350 = arith.constant 48 : index
        %get3A_351 = tpu.vector_load %arg6[%get3A_348, %get3A_349, %get3A_350] {strides = array<i32>} : memref<4x200x64xf32, #tpu.memory_space<vmem>>, vector<1x1x16xf32>,
        %get3A_352 = vector.shape_cast %get3A_351 : vector<1x1x16xf32> to vector<16xf32>
        %add3A_353 = arith.addf %add3A_323, %get3A_352 : vector<16xf32>
        %add3A_354 = arith.constant 4 : i32
        %add3A_355 = arith.addi %mul3A_234, %add3A_354 : i32
        %get3A_356 = arith.constant 2 : i32
        %get3A_357 = arith.index_cast %get3A_356 : i32 to index
        %get3A_358 = arith.index_cast %add3A_355 : i32 to index
        %get3A_359 = arith.constant 0 : index
        %get3A_360 = tpu.vector_load %arg6[%get3A_357, %get3A_358, %get3A_359] {strides = array<i32>} : memref<4x200x64xf32, #tpu.memory_space<vmem>>, vector<1x1x16xf32>,
        %get3A_361 = vector.shape_cast %get3A_360 : vector<1x1x16xf32> to vector<16xf32>
        %add3A_362 = arith.addf %add3A_332, %get3A_361 : vector<16xf32>
        %get3A_363 = arith.constant 2 : i32
        %get3A_364 = arith.index_cast %get3A_363 : i32 to index
        %get3A_365 = arith.index_cast %add3A_355 : i32 to index
        %get3A_366 = arith.constant 16 : index
        %get3A_367 = tpu.vector_load %arg6[%get3A_364, %get3A_365, %get3A_366] {strides = array<i32>} : memref<4x200x64xf32, #tpu.memory_space<vmem>>, vector<1x1x16xf32>,
        %get3A_368 = vector.shape_cast %get3A_367 : vector<1x1x16xf32> to vector<16xf32>
        %add3A_369 = arith.addf %add3A_339, %get3A_368 : vector<16xf32>
        %get3A_370 = arith.constant 2 : i32
        %get3A_371 = arith.index_cast %get3A_370 : i32 to index
        %get3A_372 = arith.index_cast %add3A_355 : i32 to index
        %get3A_373 = arith.constant 32 : index
        %get3A_374 = tpu.vector_load %arg6[%get3A_371, %get3A_372, %get3A_373] {strides = array<i32>} : memref<4x200x64xf32, #tpu.memory_space<vmem>>, vector<1x1x16xf32>,
        %get3A_375 = vector.shape_cast %get3A_374 : vector<1x1x16xf32> to vector<16xf32>
        %add3A_376 = arith.addf %add3A_346, %get3A_375 : vector<16xf32>
        %get3A_377 = arith.constant 2 : i32
        %get3A_378 = arith.index_cast %get3A_377 : i32 to index
        %get3A_379 = arith.index_cast %add3A_355 : i32 to index
        %get3A_380 = arith.constant 48 : index
        %get3A_381 = tpu.vector_load %arg6[%get3A_378, %get3A_379, %get3A_380] {strides = array<i32>} : memref<4x200x64xf32, #tpu.memory_space<vmem>>, vector<1x1x16xf32>,
        %get3A_382 = vector.shape_cast %get3A_381 : vector<1x1x16xf32> to vector<16xf32>
        %add3A_383 = arith.addf %add3A_353, %get3A_382 : vector<16xf32>
        %add3A_384 = arith.constant 5 : i32
        %add3A_385 = arith.addi %mul3A_234, %add3A_384 : i32
        %get3A_386 = arith.constant 2 : i32
        %get3A_387 = arith.index_cast %get3A_386 : i32 to index
        %get3A_388 = arith.index_cast %add3A_385 : i32 to index
        %get3A_389 = arith.constant 0 : index
        %get3A_390 = tpu.vector_load %arg6[%get3A_387, %get3A_388, %get3A_389] {strides = array<i32>} : memref<4x200x64xf32, #tpu.memory_space<vmem>>, vector<1x1x16xf32>,
        %get3A_391 = vector.shape_cast %get3A_390 : vector<1x1x16xf32> to vector<16xf32>
        %add3A_392 = arith.addf %add3A_362, %get3A_391 : vector<16xf32>
        %get3A_393 = arith.constant 2 : i32
        %get3A_394 = arith.index_cast %get3A_393 : i32 to index
        %get3A_395 = arith.index_cast %add3A_385 : i32 to index
        %get3A_396 = arith.constant 16 : index
        %get3A_397 = tpu.vector_load %arg6[%get3A_394, %get3A_395, %get3A_396] {strides = array<i32>} : memref<4x200x64xf32, #tpu.memory_space<vmem>>, vector<1x1x16xf32>,
        %get3A_398 = vector.shape_cast %get3A_397 : vector<1x1x16xf32> to vector<16xf32>
        %add3A_399 = arith.addf %add3A_369, %get3A_398 : vector<16xf32>
        %get3A_400 = arith.constant 2 : i32
        %get3A_401 = arith.index_cast %get3A_400 : i32 to index
        %get3A_402 = arith.index_cast %add3A_385 : i32 to index
        %get3A_403 = arith.constant 32 : index
        %get3A_404 = tpu.vector_load %arg6[%get3A_401, %get3A_402, %get3A_403] {strides = array<i32>} : memref<4x200x64xf32, #tpu.memory_space<vmem>>, vector<1x1x16xf32>,
        %get3A_405 = vector.shape_cast %get3A_404 : vector<1x1x16xf32> to vector<16xf32>
        %add3A_406 = arith.addf %add3A_376, %get3A_405 : vector<16xf32>
        %get3A_407 = arith.constant 2 : i32
        %get3A_408 = arith.index_cast %get3A_407 : i32 to index
        %get3A_409 = arith.index_cast %add3A_385 : i32 to index
        %get3A_410 = arith.constant 48 : index
        %get3A_411 = tpu.vector_load %arg6[%get3A_408, %get3A_409, %get3A_410] {strides = array<i32>} : memref<4x200x64xf32, #tpu.memory_space<vmem>>, vector<1x1x16xf32>,
        %get3A_412 = vector.shape_cast %get3A_411 : vector<1x1x16xf32> to vector<16xf32>
        %add3A_413 = arith.addf %add3A_383, %get3A_412 : vector<16xf32>
        %add3A_414 = arith.constant 6 : i32
        %add3A_415 = arith.addi %mul3A_234, %add3A_414 : i32
        %get3A_416 = arith.constant 2 : i32
        %get3A_417 = arith.index_cast %get3A_416 : i32 to index
        %get3A_418 = arith.index_cast %add3A_415 : i32 to index
        %get3A_419 = arith.constant 0 : index
        %get3A_420 = tpu.vector_load %arg6[%get3A_417, %get3A_418, %get3A_419] {strides = array<i32>} : memref<4x200x64xf32, #tpu.memory_space<vmem>>, vector<1x1x16xf32>,
        %get3A_421 = vector.shape_cast %get3A_420 : vector<1x1x16xf32> to vector<16xf32>
        %add3A_422 = arith.addf %add3A_392, %get3A_421 : vector<16xf32>
        %get3A_423 = arith.constant 2 : i32
        %get3A_424 = arith.index_cast %get3A_423 : i32 to index
        %get3A_425 = arith.index_cast %add3A_415 : i32 to index
        %get3A_426 = arith.constant 16 : index
        %get3A_427 = tpu.vector_load %arg6[%get3A_424, %get3A_425, %get3A_426] {strides = array<i32>} : memref<4x200x64xf32, #tpu.memory_space<vmem>>, vector<1x1x16xf32>,
        %get3A_428 = vector.shape_cast %get3A_427 : vector<1x1x16xf32> to vector<16xf32>
        %add3A_429 = arith.addf %add3A_399, %get3A_428 : vector<16xf32>
        %get3A_430 = arith.constant 2 : i32
        %get3A_431 = arith.index_cast %get3A_430 : i32 to index
        %get3A_432 = arith.index_cast %add3A_415 : i32 to index
        %get3A_433 = arith.constant 32 : index
        %get3A_434 = tpu.vector_load %arg6[%get3A_431, %get3A_432, %get3A_433] {strides = array<i32>} : memref<4x200x64xf32, #tpu.memory_space<vmem>>, vector<1x1x16xf32>,
        %get3A_435 = vector.shape_cast %get3A_434 : vector<1x1x16xf32> to vector<16xf32>
        %add3A_436 = arith.addf %add3A_406, %get3A_435 : vector<16xf32>
        %get3A_437 = arith.constant 2 : i32
        %get3A_438 = arith.index_cast %get3A_437 : i32 to index
        %get3A_439 = arith.index_cast %add3A_415 : i32 to index
        %get3A_440 = arith.constant 48 : index
        %get3A_441 = tpu.vector_load %arg6[%get3A_438, %get3A_439, %get3A_440] {strides = array<i32>} : memref<4x200x64xf32, #tpu.memory_space<vmem>>, vector<1x1x16xf32>,
        %get3A_442 = vector.shape_cast %get3A_441 : vector<1x1x16xf32> to vector<16xf32>
        %add3A_443 = arith.addf %add3A_413, %get3A_442 : vector<16xf32>
        %add3A_444 = arith.constant 7 : i32
        %add3A_445 = arith.addi %mul3A_234, %add3A_444 : i32
        %get3A_446 = arith.constant 2 : i32
        %get3A_447 = arith.index_cast %get3A_446 : i32 to index
        %get3A_448 = arith.index_cast %add3A_445 : i32 to index
        %get3A_449 = arith.constant 0 : index
        %get3A_450 = tpu.vector_load %arg6[%get3A_447, %get3A_448, %get3A_449] {strides = array<i32>} : memref<4x200x64xf32, #tpu.memory_space<vmem>>, vector<1x1x16xf32>,
        %get3A_451 = vector.shape_cast %get3A_450 : vector<1x1x16xf32> to vector<16xf32>
        %add3A_452 = arith.addf %add3A_422, %get3A_451 : vector<16xf32>
        %get3A_453 = arith.constant 2 : i32
        %get3A_454 = arith.index_cast %get3A_453 : i32 to index
        %get3A_455 = arith.index_cast %add3A_445 : i32 to index
        %get3A_456 = arith.constant 16 : index
        %get3A_457 = tpu.vector_load %arg6[%get3A_454, %get3A_455, %get3A_456] {strides = array<i32>} : memref<4x200x64xf32, #tpu.memory_space<vmem>>, vector<1x1x16xf32>,
        %get3A_458 = vector.shape_cast %get3A_457 : vector<1x1x16xf32> to vector<16xf32>
        %add3A_459 = arith.addf %add3A_429, %get3A_458 : vector<16xf32>
        %get3A_460 = arith.constant 2 : i32
        %get3A_461 = arith.index_cast %get3A_460 : i32 to index
        %get3A_462 = arith.index_cast %add3A_445 : i32 to index
        %get3A_463 = arith.constant 32 : index
        %get3A_464 = tpu.vector_load %arg6[%get3A_461, %get3A_462, %get3A_463] {strides = array<i32>} : memref<4x200x64xf32, #tpu.memory_space<vmem>>, vector<1x1x16xf32>,
        %get3A_465 = vector.shape_cast %get3A_464 : vector<1x1x16xf32> to vector<16xf32>
        %add3A_466 = arith.addf %add3A_436, %get3A_465 : vector<16xf32>
        %get3A_467 = arith.constant 2 : i32
        %get3A_468 = arith.index_cast %get3A_467 : i32 to index
        %get3A_469 = arith.index_cast %add3A_445 : i32 to index
        %get3A_470 = arith.constant 48 : index
        %get3A_471 = tpu.vector_load %arg6[%get3A_468, %get3A_469, %get3A_470] {strides = array<i32>} : memref<4x200x64xf32, #tpu.memory_space<vmem>>, vector<1x1x16xf32>,
        %get3A_472 = vector.shape_cast %get3A_471 : vector<1x1x16xf32> to vector<16xf32>
        %add3A_473 = arith.addf %add3A_443, %get3A_472 : vector<16xf32>
        scf.yield %add3A_452, %add3A_459, %add3A_466, %add3A_473 : vector<16xf32>, vector<16xf32>, vector<16xf32>, vector<16xf32>
      }
      %scan3A_159 = arith.constant 25 : i32
      %swap3A_160 = arith.index_cast %add3A_133 : i32 to index
      %swap3A_161 = arith.constant 0 : index
      %swap3A_162 = tpu.vector_load %arg7[%swap3A_160, %swap3A_161] {strides = array<i32>} : memref<128x64xf32, #tpu.memory_space<vmem>>, vector<1x16xf32>,
      %swap3A_163 = vector.shape_cast %swap3A_162 : vector<1x16xf32> to vector<16xf32>
      %swap3A_164 = vector.shape_cast %scan3A_158#0 : vector<16xf32> to vector<1x16xf32>
      tpu.vector_store %arg7[%swap3A_160, %swap3A_161], %swap3A_164 {strides = array<i32>} : memref<128x64xf32, #tpu.memory_space<vmem>>, vector<1x16xf32>,
      %swap3A_165 = arith.index_cast %add3A_133 : i32 to index
      %swap3A_166 = arith.constant 16 : index
      %swap3A_167 = tpu.vector_load %arg7[%swap3A_165, %swap3A_166] {strides = array<i32>} : memref<128x64xf32, #tpu.memory_space<vmem>>, vector<1x16xf32>,
      %swap3A_168 = vector.shape_cast %swap3A_167 : vector<1x16xf32> to vector<16xf32>
      %swap3A_169 = vector.shape_cast %scan3A_158#1 : vector<16xf32> to vector<1x16xf32>
      tpu.vector_store %arg7[%swap3A_165, %swap3A_166], %swap3A_169 {strides = array<i32>} : memref<128x64xf32, #tpu.memory_space<vmem>>, vector<1x16xf32>,
      %swap3A_170 = arith.index_cast %add3A_133 : i32 to index
      %swap3A_171 = arith.constant 32 : index
      %swap3A_172 = tpu.vector_load %arg7[%swap3A_170, %swap3A_171] {strides = array<i32>} : memref<128x64xf32, #tpu.memory_space<vmem>>, vector<1x16xf32>,
      %swap3A_173 = vector.shape_cast %swap3A_172 : vector<1x16xf32> to vector<16xf32>
      %swap3A_174 = vector.shape_cast %scan3A_158#2 : vector<16xf32> to vector<1x16xf32>
      tpu.vector_store %arg7[%swap3A_170, %swap3A_171], %swap3A_174 {strides = array<i32>} : memref<128x64xf32, #tpu.memory_space<vmem>>, vector<1x16xf32>,
      %swap3A_175 = arith.index_cast %add3A_133 : i32 to index
      %swap3A_176 = arith.constant 48 : index
      %swap3A_177 = tpu.vector_load %arg7[%swap3A_175, %swap3A_176] {strides = array<i32>} : memref<128x64xf32, #tpu.memory_space<vmem>>, vector<1x16xf32>,
      %swap3A_178 = vector.shape_cast %swap3A_177 : vector<1x16xf32> to vector<16xf32>
      %swap3A_179 = vector.shape_cast %scan3A_158#3 : vector<16xf32> to vector<1x16xf32>
      tpu.vector_store %arg7[%swap3A_175, %swap3A_176], %swap3A_179 {strides = array<i32>} : memref<128x64xf32, #tpu.memory_space<vmem>>, vector<1x16xf32>,
      %add3A_180 = arith.constant 3 : i32
      %add3A_181 = arith.addi %mul3A_41, %add3A_180 : i32
      %add3A_182 = arith.constant 3 : i32
      %add3A_183 = arith.addi %add3A_181, %add3A_182 : i32
      %lt3A_184 = arith.constant 128 : i32
      %lt3A_185 = arith.cmpi slt, %add3A_183, %lt3A_184 : i32
      %convert_element_type3A_186 = arith.extui %lt3A_185 : i1 to i32
      %cond3A_187 = arith.constant 0 : i32
      %cond3A_188 = arith.cmpi ne, %convert_element_type3A_186, %cond3A_187 : i32
      scf.if %cond3A_188 {
        %mul3A_228 = arith.constant 200 : i32
        %mul3A_229 = arith.muli %add3A_183, %mul3A_228 : i32
        %dma_start3A_230 = arith.constant 2 : i32
        %dma_start3A_231 = arith.constant 0 : i32
        %dma_start3A_232 = arith.constant 0 : i32
        %dma_start3A_233 = tpu.memref_slice %arg6[%dma_start3A_230, %dma_start3A_231, %dma_start3A_232] : memref<4x200x64xf32, #tpu.memory_space<vmem>> -> memref<1x200x64xf32, #tpu.memory_space<vmem>>
        %dma_start3A_234 = tpu.memref_squeeze %dma_start3A_233 : memref<1x200x64xf32, #tpu.memory_space<vmem>> -> memref<200x64xf32, #tpu.memory_space<vmem>>
        %dma_start3A_235 = tpu.memref_slice %arg5[%mul3A_229] : memref<25600xi32, #tpu.memory_space<vmem>> -> memref<200xi32, #tpu.memory_space<vmem>>
        %dma_start3A_236 = arith.constant 0 : i32
        %dma_start3A_237 = arith.constant 0 : i32
        %dma_start3A_238 = tpu.memref_slice %arg3[%dma_start3A_236, %dma_start3A_237] : memref<1000000x64xf32, #tpu.memory_space<hbm>> -> memref<1000000x64xf32, #tpu.memory_space<hbm>>
        tpu.enqueue_indirect_dma source(%dma_start3A_238 : memref<1000000x64xf32, #tpu.memory_space<hbm>>) target(%dma_start3A_234 : memref<200x64xf32, #tpu.memory_space<vmem>>) offsets(%dma_start3A_235 : memref<200xi32, #tpu.memory_space<vmem>>) semaphore(%arg10 : memref<!tpu.dma_semaphore, #tpu.memory_space<semaphore_mem>>)
      } else {
      }
      %mul3A_189 = arith.constant 200 : i32
      %mul3A_190 = arith.muli %add3A_181, %mul3A_189 : i32
      %dma_wait3A_191 = arith.constant 3 : i32
      %dma_wait3A_192 = arith.constant 0 : i32
      %dma_wait3A_193 = arith.constant 0 : i32
      %dma_wait3A_194 = tpu.memref_slice %arg6[%dma_wait3A_191, %dma_wait3A_192, %dma_wait3A_193] : memref<4x200x64xf32, #tpu.memory_space<vmem>> -> memref<1x200x64xf32, #tpu.memory_space<vmem>>
      %dma_wait3A_195 = tpu.memref_squeeze %dma_wait3A_194 : memref<1x200x64xf32, #tpu.memory_space<vmem>> -> memref<200x64xf32, #tpu.memory_space<vmem>>
      %dma_wait3A_196 = tpu.memref_slice %arg5[%mul3A_190] : memref<25600xi32, #tpu.memory_space<vmem>> -> memref<200xi32, #tpu.memory_space<vmem>>
      %dma_wait3A_197 = arith.constant 0 : i32
      %dma_wait3A_198 = arith.constant 0 : i32
      %dma_wait3A_199 = tpu.memref_slice %arg3[%dma_wait3A_197, %dma_wait3A_198] : memref<1000000x64xf32, #tpu.memory_space<hbm>> -> memref<1000000x64xf32, #tpu.memory_space<hbm>>
      tpu.wait_indirect_dma semaphore(%arg11 : memref<!tpu.dma_semaphore, #tpu.memory_space<semaphore_mem>>) src(%dma_wait3A_199 : memref<1000000x64xf32, #tpu.memory_space<hbm>>) dst(%dma_wait3A_195 : memref<200x64xf32, #tpu.memory_space<vmem>>)
      %broadcast_in_dim3A_200 = arith.constant 0.000000e+00 : f32
      %broadcast_in_dim3A_201 = vector.broadcast %broadcast_in_dim3A_200 : f32 to vector<16xf32>
      %scan3A_202 = arith.constant 0 : i32
      %scan3A_203 = arith.constant 25 : i32
      %scan3A_204 = arith.addi %scan3A_202, %scan3A_203 : i32
      %scan3A_205 = arith.constant 1 : i32
      %scan3A_206:4 = scf.for %scan3A_228 = %scan3A_202 to %scan3A_204 step %scan3A_205 iter_args(%scan3A_229 = %broadcast_in_dim3A_201, %scan3A_230 = %broadcast_in_dim3A_201, %scan3A_231 = %broadcast_in_dim3A_201, %scan3A_232 = %broadcast_in_dim3A_201) -> (vector<16xf32>, vector<16xf32>, vector<16xf32>, vector<16xf32>)  : i32 {
        %mul3A_233 = arith.constant 8 : i32
        %mul3A_234 = arith.muli %scan3A_228, %mul3A_233 : i32
        %add3A_235 = arith.constant 0 : i32
        %add3A_236 = arith.addi %mul3A_234, %add3A_235 : i32
        %get3A = arith.constant 3 : i32
        %get3A_237 = arith.index_cast %get3A : i32 to index
        %get3A_238 = arith.index_cast %add3A_236 : i32 to index
        %get3A_239 = arith.constant 0 : index
        %get3A_240 = tpu.vector_load %arg6[%get3A_237, %get3A_238, %get3A_239] {strides = array<i32>} : memref<4x200x64xf32, #tpu.memory_space<vmem>>, vector<1x1x16xf32>,
        %get3A_241 = vector.shape_cast %get3A_240 : vector<1x1x16xf32> to vector<16xf32>
        %add3A_242 = arith.addf %scan3A_229, %get3A_241 : vector<16xf32>
        %get3A_243 = arith.constant 3 : i32
        %get3A_244 = arith.index_cast %get3A_243 : i32 to index
        %get3A_245 = arith.index_cast %add3A_236 : i32 to index
        %get3A_246 = arith.constant 16 : index
        %get3A_247 = tpu.vector_load %arg6[%get3A_244, %get3A_245, %get3A_246] {strides = array<i32>} : memref<4x200x64xf32, #tpu.memory_space<vmem>>, vector<1x1x16xf32>,
        %get3A_248 = vector.shape_cast %get3A_247 : vector<1x1x16xf32> to vector<16xf32>
        %add3A_249 = arith.addf %scan3A_230, %get3A_248 : vector<16xf32>
        %get3A_250 = arith.constant 3 : i32
        %get3A_251 = arith.index_cast %get3A_250 : i32 to index
        %get3A_252 = arith.index_cast %add3A_236 : i32 to index
        %get3A_253 = arith.constant 32 : index
        %get3A_254 = tpu.vector_load %arg6[%get3A_251, %get3A_252, %get3A_253] {strides = array<i32>} : memref<4x200x64xf32, #tpu.memory_space<vmem>>, vector<1x1x16xf32>,
        %get3A_255 = vector.shape_cast %get3A_254 : vector<1x1x16xf32> to vector<16xf32>
        %add3A_256 = arith.addf %scan3A_231, %get3A_255 : vector<16xf32>
        %get3A_257 = arith.constant 3 : i32
        %get3A_258 = arith.index_cast %get3A_257 : i32 to index
        %get3A_259 = arith.index_cast %add3A_236 : i32 to index
        %get3A_260 = arith.constant 48 : index
        %get3A_261 = tpu.vector_load %arg6[%get3A_258, %get3A_259, %get3A_260] {strides = array<i32>} : memref<4x200x64xf32, #tpu.memory_space<vmem>>, vector<1x1x16xf32>,
        %get3A_262 = vector.shape_cast %get3A_261 : vector<1x1x16xf32> to vector<16xf32>
        %add3A_263 = arith.addf %scan3A_232, %get3A_262 : vector<16xf32>
        %add3A_264 = arith.constant 1 : i32
        %add3A_265 = arith.addi %mul3A_234, %add3A_264 : i32
        %get3A_266 = arith.constant 3 : i32
        %get3A_267 = arith.index_cast %get3A_266 : i32 to index
        %get3A_268 = arith.index_cast %add3A_265 : i32 to index
        %get3A_269 = arith.constant 0 : index
        %get3A_270 = tpu.vector_load %arg6[%get3A_267, %get3A_268, %get3A_269] {strides = array<i32>} : memref<4x200x64xf32, #tpu.memory_space<vmem>>, vector<1x1x16xf32>,
        %get3A_271 = vector.shape_cast %get3A_270 : vector<1x1x16xf32> to vector<16xf32>
        %add3A_272 = arith.addf %add3A_242, %get3A_271 : vector<16xf32>
        %get3A_273 = arith.constant 3 : i32
        %get3A_274 = arith.index_cast %get3A_273 : i32 to index
        %get3A_275 = arith.index_cast %add3A_265 : i32 to index
        %get3A_276 = arith.constant 16 : index
        %get3A_277 = tpu.vector_load %arg6[%get3A_274, %get3A_275, %get3A_276] {strides = array<i32>} : memref<4x200x64xf32, #tpu.memory_space<vmem>>, vector<1x1x16xf32>,
        %get3A_278 = vector.shape_cast %get3A_277 : vector<1x1x16xf32> to vector<16xf32>
        %add3A_279 = arith.addf %add3A_249, %get3A_278 : vector<16xf32>
        %get3A_280 = arith.constant 3 : i32
        %get3A_281 = arith.index_cast %get3A_280 : i32 to index
        %get3A_282 = arith.index_cast %add3A_265 : i32 to index
        %get3A_283 = arith.constant 32 : index
        %get3A_284 = tpu.vector_load %arg6[%get3A_281, %get3A_282, %get3A_283] {strides = array<i32>} : memref<4x200x64xf32, #tpu.memory_space<vmem>>, vector<1x1x16xf32>,
        %get3A_285 = vector.shape_cast %get3A_284 : vector<1x1x16xf32> to vector<16xf32>
        %add3A_286 = arith.addf %add3A_256, %get3A_285 : vector<16xf32>
        %get3A_287 = arith.constant 3 : i32
        %get3A_288 = arith.index_cast %get3A_287 : i32 to index
        %get3A_289 = arith.index_cast %add3A_265 : i32 to index
        %get3A_290 = arith.constant 48 : index
        %get3A_291 = tpu.vector_load %arg6[%get3A_288, %get3A_289, %get3A_290] {strides = array<i32>} : memref<4x200x64xf32, #tpu.memory_space<vmem>>, vector<1x1x16xf32>,
        %get3A_292 = vector.shape_cast %get3A_291 : vector<1x1x16xf32> to vector<16xf32>
        %add3A_293 = arith.addf %add3A_263, %get3A_292 : vector<16xf32>
        %add3A_294 = arith.constant 2 : i32
        %add3A_295 = arith.addi %mul3A_234, %add3A_294 : i32
        %get3A_296 = arith.constant 3 : i32
        %get3A_297 = arith.index_cast %get3A_296 : i32 to index
        %get3A_298 = arith.index_cast %add3A_295 : i32 to index
        %get3A_299 = arith.constant 0 : index
        %get3A_300 = tpu.vector_load %arg6[%get3A_297, %get3A_298, %get3A_299] {strides = array<i32>} : memref<4x200x64xf32, #tpu.memory_space<vmem>>, vector<1x1x16xf32>,
        %get3A_301 = vector.shape_cast %get3A_300 : vector<1x1x16xf32> to vector<16xf32>
        %add3A_302 = arith.addf %add3A_272, %get3A_301 : vector<16xf32>
        %get3A_303 = arith.constant 3 : i32
        %get3A_304 = arith.index_cast %get3A_303 : i32 to index
        %get3A_305 = arith.index_cast %add3A_295 : i32 to index
        %get3A_306 = arith.constant 16 : index
        %get3A_307 = tpu.vector_load %arg6[%get3A_304, %get3A_305, %get3A_306] {strides = array<i32>} : memref<4x200x64xf32, #tpu.memory_space<vmem>>, vector<1x1x16xf32>,
        %get3A_308 = vector.shape_cast %get3A_307 : vector<1x1x16xf32> to vector<16xf32>
        %add3A_309 = arith.addf %add3A_279, %get3A_308 : vector<16xf32>
        %get3A_310 = arith.constant 3 : i32
        %get3A_311 = arith.index_cast %get3A_310 : i32 to index
        %get3A_312 = arith.index_cast %add3A_295 : i32 to index
        %get3A_313 = arith.constant 32 : index
        %get3A_314 = tpu.vector_load %arg6[%get3A_311, %get3A_312, %get3A_313] {strides = array<i32>} : memref<4x200x64xf32, #tpu.memory_space<vmem>>, vector<1x1x16xf32>,
        %get3A_315 = vector.shape_cast %get3A_314 : vector<1x1x16xf32> to vector<16xf32>
        %add3A_316 = arith.addf %add3A_286, %get3A_315 : vector<16xf32>
        %get3A_317 = arith.constant 3 : i32
        %get3A_318 = arith.index_cast %get3A_317 : i32 to index
        %get3A_319 = arith.index_cast %add3A_295 : i32 to index
        %get3A_320 = arith.constant 48 : index
        %get3A_321 = tpu.vector_load %arg6[%get3A_318, %get3A_319, %get3A_320] {strides = array<i32>} : memref<4x200x64xf32, #tpu.memory_space<vmem>>, vector<1x1x16xf32>,
        %get3A_322 = vector.shape_cast %get3A_321 : vector<1x1x16xf32> to vector<16xf32>
        %add3A_323 = arith.addf %add3A_293, %get3A_322 : vector<16xf32>
        %add3A_324 = arith.constant 3 : i32
        %add3A_325 = arith.addi %mul3A_234, %add3A_324 : i32
        %get3A_326 = arith.constant 3 : i32
        %get3A_327 = arith.index_cast %get3A_326 : i32 to index
        %get3A_328 = arith.index_cast %add3A_325 : i32 to index
        %get3A_329 = arith.constant 0 : index
        %get3A_330 = tpu.vector_load %arg6[%get3A_327, %get3A_328, %get3A_329] {strides = array<i32>} : memref<4x200x64xf32, #tpu.memory_space<vmem>>, vector<1x1x16xf32>,
        %get3A_331 = vector.shape_cast %get3A_330 : vector<1x1x16xf32> to vector<16xf32>
        %add3A_332 = arith.addf %add3A_302, %get3A_331 : vector<16xf32>
        %get3A_333 = arith.constant 3 : i32
        %get3A_334 = arith.index_cast %get3A_333 : i32 to index
        %get3A_335 = arith.index_cast %add3A_325 : i32 to index
        %get3A_336 = arith.constant 16 : index
        %get3A_337 = tpu.vector_load %arg6[%get3A_334, %get3A_335, %get3A_336] {strides = array<i32>} : memref<4x200x64xf32, #tpu.memory_space<vmem>>, vector<1x1x16xf32>,
        %get3A_338 = vector.shape_cast %get3A_337 : vector<1x1x16xf32> to vector<16xf32>
        %add3A_339 = arith.addf %add3A_309, %get3A_338 : vector<16xf32>
        %get3A_340 = arith.constant 3 : i32
        %get3A_341 = arith.index_cast %get3A_340 : i32 to index
        %get3A_342 = arith.index_cast %add3A_325 : i32 to index
        %get3A_343 = arith.constant 32 : index
        %get3A_344 = tpu.vector_load %arg6[%get3A_341, %get3A_342, %get3A_343] {strides = array<i32>} : memref<4x200x64xf32, #tpu.memory_space<vmem>>, vector<1x1x16xf32>,
        %get3A_345 = vector.shape_cast %get3A_344 : vector<1x1x16xf32> to vector<16xf32>
        %add3A_346 = arith.addf %add3A_316, %get3A_345 : vector<16xf32>
        %get3A_347 = arith.constant 3 : i32
        %get3A_348 = arith.index_cast %get3A_347 : i32 to index
        %get3A_349 = arith.index_cast %add3A_325 : i32 to index
        %get3A_350 = arith.constant 48 : index
        %get3A_351 = tpu.vector_load %arg6[%get3A_348, %get3A_349, %get3A_350] {strides = array<i32>} : memref<4x200x64xf32, #tpu.memory_space<vmem>>, vector<1x1x16xf32>,
        %get3A_352 = vector.shape_cast %get3A_351 : vector<1x1x16xf32> to vector<16xf32>
        %add3A_353 = arith.addf %add3A_323, %get3A_352 : vector<16xf32>
        %add3A_354 = arith.constant 4 : i32
        %add3A_355 = arith.addi %mul3A_234, %add3A_354 : i32
        %get3A_356 = arith.constant 3 : i32
        %get3A_357 = arith.index_cast %get3A_356 : i32 to index
        %get3A_358 = arith.index_cast %add3A_355 : i32 to index
        %get3A_359 = arith.constant 0 : index
        %get3A_360 = tpu.vector_load %arg6[%get3A_357, %get3A_358, %get3A_359] {strides = array<i32>} : memref<4x200x64xf32, #tpu.memory_space<vmem>>, vector<1x1x16xf32>,
        %get3A_361 = vector.shape_cast %get3A_360 : vector<1x1x16xf32> to vector<16xf32>
        %add3A_362 = arith.addf %add3A_332, %get3A_361 : vector<16xf32>
        %get3A_363 = arith.constant 3 : i32
        %get3A_364 = arith.index_cast %get3A_363 : i32 to index
        %get3A_365 = arith.index_cast %add3A_355 : i32 to index
        %get3A_366 = arith.constant 16 : index
        %get3A_367 = tpu.vector_load %arg6[%get3A_364, %get3A_365, %get3A_366] {strides = array<i32>} : memref<4x200x64xf32, #tpu.memory_space<vmem>>, vector<1x1x16xf32>,
        %get3A_368 = vector.shape_cast %get3A_367 : vector<1x1x16xf32> to vector<16xf32>
        %add3A_369 = arith.addf %add3A_339, %get3A_368 : vector<16xf32>
        %get3A_370 = arith.constant 3 : i32
        %get3A_371 = arith.index_cast %get3A_370 : i32 to index
        %get3A_372 = arith.index_cast %add3A_355 : i32 to index
        %get3A_373 = arith.constant 32 : index
        %get3A_374 = tpu.vector_load %arg6[%get3A_371, %get3A_372, %get3A_373] {strides = array<i32>} : memref<4x200x64xf32, #tpu.memory_space<vmem>>, vector<1x1x16xf32>,
        %get3A_375 = vector.shape_cast %get3A_374 : vector<1x1x16xf32> to vector<16xf32>
        %add3A_376 = arith.addf %add3A_346, %get3A_375 : vector<16xf32>
        %get3A_377 = arith.constant 3 : i32
        %get3A_378 = arith.index_cast %get3A_377 : i32 to index
        %get3A_379 = arith.index_cast %add3A_355 : i32 to index
        %get3A_380 = arith.constant 48 : index
        %get3A_381 = tpu.vector_load %arg6[%get3A_378, %get3A_379, %get3A_380] {strides = array<i32>} : memref<4x200x64xf32, #tpu.memory_space<vmem>>, vector<1x1x16xf32>,
        %get3A_382 = vector.shape_cast %get3A_381 : vector<1x1x16xf32> to vector<16xf32>
        %add3A_383 = arith.addf %add3A_353, %get3A_382 : vector<16xf32>
        %add3A_384 = arith.constant 5 : i32
        %add3A_385 = arith.addi %mul3A_234, %add3A_384 : i32
        %get3A_386 = arith.constant 3 : i32
        %get3A_387 = arith.index_cast %get3A_386 : i32 to index
        %get3A_388 = arith.index_cast %add3A_385 : i32 to index
        %get3A_389 = arith.constant 0 : index
        %get3A_390 = tpu.vector_load %arg6[%get3A_387, %get3A_388, %get3A_389] {strides = array<i32>} : memref<4x200x64xf32, #tpu.memory_space<vmem>>, vector<1x1x16xf32>,
        %get3A_391 = vector.shape_cast %get3A_390 : vector<1x1x16xf32> to vector<16xf32>
        %add3A_392 = arith.addf %add3A_362, %get3A_391 : vector<16xf32>
        %get3A_393 = arith.constant 3 : i32
        %get3A_394 = arith.index_cast %get3A_393 : i32 to index
        %get3A_395 = arith.index_cast %add3A_385 : i32 to index
        %get3A_396 = arith.constant 16 : index
        %get3A_397 = tpu.vector_load %arg6[%get3A_394, %get3A_395, %get3A_396] {strides = array<i32>} : memref<4x200x64xf32, #tpu.memory_space<vmem>>, vector<1x1x16xf32>,
        %get3A_398 = vector.shape_cast %get3A_397 : vector<1x1x16xf32> to vector<16xf32>
        %add3A_399 = arith.addf %add3A_369, %get3A_398 : vector<16xf32>
        %get3A_400 = arith.constant 3 : i32
        %get3A_401 = arith.index_cast %get3A_400 : i32 to index
        %get3A_402 = arith.index_cast %add3A_385 : i32 to index
        %get3A_403 = arith.constant 32 : index
        %get3A_404 = tpu.vector_load %arg6[%get3A_401, %get3A_402, %get3A_403] {strides = array<i32>} : memref<4x200x64xf32, #tpu.memory_space<vmem>>, vector<1x1x16xf32>,
        %get3A_405 = vector.shape_cast %get3A_404 : vector<1x1x16xf32> to vector<16xf32>
        %add3A_406 = arith.addf %add3A_376, %get3A_405 : vector<16xf32>
        %get3A_407 = arith.constant 3 : i32
        %get3A_408 = arith.index_cast %get3A_407 : i32 to index
        %get3A_409 = arith.index_cast %add3A_385 : i32 to index
        %get3A_410 = arith.constant 48 : index
        %get3A_411 = tpu.vector_load %arg6[%get3A_408, %get3A_409, %get3A_410] {strides = array<i32>} : memref<4x200x64xf32, #tpu.memory_space<vmem>>, vector<1x1x16xf32>,
        %get3A_412 = vector.shape_cast %get3A_411 : vector<1x1x16xf32> to vector<16xf32>
        %add3A_413 = arith.addf %add3A_383, %get3A_412 : vector<16xf32>
        %add3A_414 = arith.constant 6 : i32
        %add3A_415 = arith.addi %mul3A_234, %add3A_414 : i32
        %get3A_416 = arith.constant 3 : i32
        %get3A_417 = arith.index_cast %get3A_416 : i32 to index
        %get3A_418 = arith.index_cast %add3A_415 : i32 to index
        %get3A_419 = arith.constant 0 : index
        %get3A_420 = tpu.vector_load %arg6[%get3A_417, %get3A_418, %get3A_419] {strides = array<i32>} : memref<4x200x64xf32, #tpu.memory_space<vmem>>, vector<1x1x16xf32>,
        %get3A_421 = vector.shape_cast %get3A_420 : vector<1x1x16xf32> to vector<16xf32>
        %add3A_422 = arith.addf %add3A_392, %get3A_421 : vector<16xf32>
        %get3A_423 = arith.constant 3 : i32
        %get3A_424 = arith.index_cast %get3A_423 : i32 to index
        %get3A_425 = arith.index_cast %add3A_415 : i32 to index
        %get3A_426 = arith.constant 16 : index
        %get3A_427 = tpu.vector_load %arg6[%get3A_424, %get3A_425, %get3A_426] {strides = array<i32>} : memref<4x200x64xf32, #tpu.memory_space<vmem>>, vector<1x1x16xf32>,
        %get3A_428 = vector.shape_cast %get3A_427 : vector<1x1x16xf32> to vector<16xf32>
        %add3A_429 = arith.addf %add3A_399, %get3A_428 : vector<16xf32>
        %get3A_430 = arith.constant 3 : i32
        %get3A_431 = arith.index_cast %get3A_430 : i32 to index
        %get3A_432 = arith.index_cast %add3A_415 : i32 to index
        %get3A_433 = arith.constant 32 : index
        %get3A_434 = tpu.vector_load %arg6[%get3A_431, %get3A_432, %get3A_433] {strides = array<i32>} : memref<4x200x64xf32, #tpu.memory_space<vmem>>, vector<1x1x16xf32>,
        %get3A_435 = vector.shape_cast %get3A_434 : vector<1x1x16xf32> to vector<16xf32>
        %add3A_436 = arith.addf %add3A_406, %get3A_435 : vector<16xf32>
        %get3A_437 = arith.constant 3 : i32
        %get3A_438 = arith.index_cast %get3A_437 : i32 to index
        %get3A_439 = arith.index_cast %add3A_415 : i32 to index
        %get3A_440 = arith.constant 48 : index
        %get3A_441 = tpu.vector_load %arg6[%get3A_438, %get3A_439, %get3A_440] {strides = array<i32>} : memref<4x200x64xf32, #tpu.memory_space<vmem>>, vector<1x1x16xf32>,
        %get3A_442 = vector.shape_cast %get3A_441 : vector<1x1x16xf32> to vector<16xf32>
        %add3A_443 = arith.addf %add3A_413, %get3A_442 : vector<16xf32>
        %add3A_444 = arith.constant 7 : i32
        %add3A_445 = arith.addi %mul3A_234, %add3A_444 : i32
        %get3A_446 = arith.constant 3 : i32
        %get3A_447 = arith.index_cast %get3A_446 : i32 to index
        %get3A_448 = arith.index_cast %add3A_445 : i32 to index
        %get3A_449 = arith.constant 0 : index
        %get3A_450 = tpu.vector_load %arg6[%get3A_447, %get3A_448, %get3A_449] {strides = array<i32>} : memref<4x200x64xf32, #tpu.memory_space<vmem>>, vector<1x1x16xf32>,
        %get3A_451 = vector.shape_cast %get3A_450 : vector<1x1x16xf32> to vector<16xf32>
        %add3A_452 = arith.addf %add3A_422, %get3A_451 : vector<16xf32>
        %get3A_453 = arith.constant 3 : i32
        %get3A_454 = arith.index_cast %get3A_453 : i32 to index
        %get3A_455 = arith.index_cast %add3A_445 : i32 to index
        %get3A_456 = arith.constant 16 : index
        %get3A_457 = tpu.vector_load %arg6[%get3A_454, %get3A_455, %get3A_456] {strides = array<i32>} : memref<4x200x64xf32, #tpu.memory_space<vmem>>, vector<1x1x16xf32>,
        %get3A_458 = vector.shape_cast %get3A_457 : vector<1x1x16xf32> to vector<16xf32>
        %add3A_459 = arith.addf %add3A_429, %get3A_458 : vector<16xf32>
        %get3A_460 = arith.constant 3 : i32
        %get3A_461 = arith.index_cast %get3A_460 : i32 to index
        %get3A_462 = arith.index_cast %add3A_445 : i32 to index
        %get3A_463 = arith.constant 32 : index
        %get3A_464 = tpu.vector_load %arg6[%get3A_461, %get3A_462, %get3A_463] {strides = array<i32>} : memref<4x200x64xf32, #tpu.memory_space<vmem>>, vector<1x1x16xf32>,
        %get3A_465 = vector.shape_cast %get3A_464 : vector<1x1x16xf32> to vector<16xf32>
        %add3A_466 = arith.addf %add3A_436, %get3A_465 : vector<16xf32>
        %get3A_467 = arith.constant 3 : i32
        %get3A_468 = arith.index_cast %get3A_467 : i32 to index
        %get3A_469 = arith.index_cast %add3A_445 : i32 to index
        %get3A_470 = arith.constant 48 : index
        %get3A_471 = tpu.vector_load %arg6[%get3A_468, %get3A_469, %get3A_470] {strides = array<i32>} : memref<4x200x64xf32, #tpu.memory_space<vmem>>, vector<1x1x16xf32>,
        %get3A_472 = vector.shape_cast %get3A_471 : vector<1x1x16xf32> to vector<16xf32>
        %add3A_473 = arith.addf %add3A_443, %get3A_472 : vector<16xf32>
        scf.yield %add3A_452, %add3A_459, %add3A_466, %add3A_473 : vector<16xf32>, vector<16xf32>, vector<16xf32>, vector<16xf32>
      }
      %scan3A_207 = arith.constant 25 : i32
      %swap3A_208 = arith.index_cast %add3A_181 : i32 to index
      %swap3A_209 = arith.constant 0 : index
      %swap3A_210 = tpu.vector_load %arg7[%swap3A_208, %swap3A_209] {strides = array<i32>} : memref<128x64xf32, #tpu.memory_space<vmem>>, vector<1x16xf32>,
      %swap3A_211 = vector.shape_cast %swap3A_210 : vector<1x16xf32> to vector<16xf32>
      %swap3A_212 = vector.shape_cast %scan3A_206#0 : vector<16xf32> to vector<1x16xf32>
      tpu.vector_store %arg7[%swap3A_208, %swap3A_209], %swap3A_212 {strides = array<i32>} : memref<128x64xf32, #tpu.memory_space<vmem>>, vector<1x16xf32>,
      %swap3A_213 = arith.index_cast %add3A_181 : i32 to index
      %swap3A_214 = arith.constant 16 : index
      %swap3A_215 = tpu.vector_load %arg7[%swap3A_213, %swap3A_214] {strides = array<i32>} : memref<128x64xf32, #tpu.memory_space<vmem>>, vector<1x16xf32>,
      %swap3A_216 = vector.shape_cast %swap3A_215 : vector<1x16xf32> to vector<16xf32>
      %swap3A_217 = vector.shape_cast %scan3A_206#1 : vector<16xf32> to vector<1x16xf32>
      tpu.vector_store %arg7[%swap3A_213, %swap3A_214], %swap3A_217 {strides = array<i32>} : memref<128x64xf32, #tpu.memory_space<vmem>>, vector<1x16xf32>,
      %swap3A_218 = arith.index_cast %add3A_181 : i32 to index
      %swap3A_219 = arith.constant 32 : index
      %swap3A_220 = tpu.vector_load %arg7[%swap3A_218, %swap3A_219] {strides = array<i32>} : memref<128x64xf32, #tpu.memory_space<vmem>>, vector<1x16xf32>,
      %swap3A_221 = vector.shape_cast %swap3A_220 : vector<1x16xf32> to vector<16xf32>
      %swap3A_222 = vector.shape_cast %scan3A_206#2 : vector<16xf32> to vector<1x16xf32>
      tpu.vector_store %arg7[%swap3A_218, %swap3A_219], %swap3A_222 {strides = array<i32>} : memref<128x64xf32, #tpu.memory_space<vmem>>, vector<1x16xf32>,
      %swap3A_223 = arith.index_cast %add3A_181 : i32 to index
      %swap3A_224 = arith.constant 48 : index
      %swap3A_225 = tpu.vector_load %arg7[%swap3A_223, %swap3A_224] {strides = array<i32>} : memref<128x64xf32, #tpu.memory_space<vmem>>, vector<1x16xf32>,
      %swap3A_226 = vector.shape_cast %swap3A_225 : vector<1x16xf32> to vector<16xf32>
      %swap3A_227 = vector.shape_cast %scan3A_206#3 : vector<16xf32> to vector<1x16xf32>
      tpu.vector_store %arg7[%swap3A_223, %swap3A_224], %swap3A_227 {strides = array<i32>} : memref<128x64xf32, #tpu.memory_space<vmem>>, vector<1x16xf32>,
    }
    %scan3A_38 = arith.constant 32 : i32
    "tpu.region"() ({
      %run_scoped3A = tpu.sem_alloc : memref<!tpu.dma_semaphore, #tpu.memory_space<semaphore_mem>>
      %dma_start3A_39 = arith.constant 0 : i32
      %dma_start3A_40 = tpu.memref_slice %arg4[%mul3A_2, %dma_start3A_39] : memref<4096x64xf32, #tpu.memory_space<hbm>> -> memref<128x64xf32, #tpu.memory_space<hbm>>
      %dma_start3A_41 = arith.constant 0 : i32
      %dma_start3A_42 = tpu.memref_slice %arg4[%mul3A_2, %dma_start3A_41] : memref<4096x64xf32, #tpu.memory_space<hbm>> -> memref<128x64xf32, #tpu.memory_space<hbm>>
      tpu.enqueue_dma source(%arg7 : memref<128x64xf32, #tpu.memory_space<vmem>>) target(%dma_start3A_42 : memref<128x64xf32, #tpu.memory_space<hbm>>) target_semaphore(%run_scoped3A : memref<!tpu.dma_semaphore, #tpu.memory_space<semaphore_mem>>)
      %dma_wait3A = arith.constant 0 : i32
      %dma_wait3A_43 = tpu.memref_slice %arg4[%mul3A_2, %dma_wait3A] : memref<4096x64xf32, #tpu.memory_space<hbm>> -> memref<128x64xf32, #tpu.memory_space<hbm>>
      %dma_wait3A_44 = arith.constant 0 : i32
      %dma_wait3A_45 = tpu.memref_slice %arg4[%mul3A_2, %dma_wait3A_44] : memref<4096x64xf32, #tpu.memory_space<hbm>> -> memref<128x64xf32, #tpu.memory_space<hbm>>
      tpu.wait_dma2 semaphore(%run_scoped3A : memref<!tpu.dma_semaphore, #tpu.memory_space<semaphore_mem>>) src(%arg7 : memref<128x64xf32, #tpu.memory_space<vmem>>) dst(%dma_wait3A_45 : memref<128x64xf32, #tpu.memory_space<hbm>>)
      tpu.yield
    }) : () -> ()
    return
  }
}

</mosaic_0001>

<sc_bundles>
// kernel: kernel.3.cloned.1.call-start
scs
__scs_entry_jumppad:
0x0: {  	(pc) =	sbr.rel $0x88, $3  }
0x1: {  	(tag) =	ssettag $0x0;
	lr =	simm.s32 $0x1  }
0x2: {  	[smem:$0x3F9F] =	sst lr;
	_ =	strace $0xD0000000  }
0x3: {  	_ = 	snop  }
0x4: {  	_ = 	snop  }
0x5: {  	_ = 	snop  }
0x6: {  	_ = 	snop  }
0x7: {  	_ = 	snop  }
__scs_overlays_trampoline_lowered:
0x8: {  	[smem:$0x3FAE] =	sst s0  }
0x9: {  	[smem:$0x3FAF] =	sst s1  }
0xa: {  	[smem:$0x3FB0] =	sst s2  }
0xb: {  	[smem:$0x3FB1] =	sst s3  }
0xc: {  	[smem:$0x3FB2] =	sst s4  }
0xd: {  	[smem:$0x3FB3] =	sst s5  }
0xe: {  	[smem:$0x3FB4] =	sst s6  }
0xf: {  	[smem:$0x3FB5] =	sst s7  }
0x10: {  	[smem:$0x3FB6] =	sst s8  }
0x11: {  	[smem:$0x3FB7] =	sst s9;
	s0 =	simm.s32 @!p0 $0x0  }
0x12: {  	s1 =	sld [smem:$0x3F9D];
	s0 =	simm.s32 @p0 $0x1  }
0x13: {  	[smem:$0x3FB8] =	sst s0;
	s0 =	simm.s32 @!p1 $0x0  }
0x14: {  	s2 =	sld [smem:$0x3F9C];
	s0 =	simm.s32 @p1 $0x1  }
0x15: {  	[smem:$0x3FB9] =	sst s0;
	s0 =	simm.s32 @!p2 $0x0  }
0x16: {  	s3 =	sld [smem:$0x3FDB];
	s0 =	simm.s32 @p2 $0x1  }
0x17: {  	s4 =	simm.s32 $0x1BF5;
	[smem:$0x3FBB] =	sst s0  }
0x18: {  	s0 =	sld [smem:$0x3F9E];
	_ =	swait.ge [sflag:s4], $0x0  }
0x19: {  	s7 =	sld [smem:$0x3F9F]  }
0x1a: {  	s8 =	sadd.s32 $0xFFFFE003, lr  }
0x1b: {  	s9 =	sadd.s32 $0xFFFFFEF7, lr;
	s5 =	simm.s32 $0xFFFFFFFF;
	p2 =	slt.u32 s8, $0xFFFFF086  }
0x1c: {  	p1 =	slt.u32 s9, $0xF7A;
	s5 =	simm.s32 @!p2 $0x0  }
0x1d: {  	s5 =	simm.s32 @p1 $0x1;
	p0 =	seq.s32 s7, s2  }
0x1e: {  	s7 =	smul.u32 @!p0 $0xF7A, s2;
	p2 =	seq.s32 @!p0 s5, $0x0  }
0x1f: {  	s9 =	smul.u32 $0xF7A, s1;
	s8 =	simm.s32 @!p0 $0x1BF5;
	p2 =	por !p2, p0  }
0x20: {  	[sflag:s8] =	ssyncset.s32 @!p0 $0xFFFFF086;
	s6 =	sadd.s32 @!p0 s3, s7;
	s7 =	simm.s32 @!p0 $0x108  }
0x21: {  	s3 =	sadd.s32 s3, s9;
	s6 =	sadd.s32 @!p0 $0x88, s6;
	s7 =	simm.s32 @p2 $0x1082  }
0x22: {  	[simem:s7], [sflag:s8] =	dma.local @!p0 [hbm:s6], $0xF7A  }
0x23: {  	s9 =	sor.u32 $0xD0000000, s2;
	s6 =	simm.s32 $0x108;
	_ =	swait.ge @!p0 [sflag:s8], $0x0  }
0x24: {  	s3 =	sadd.s32 $0x88, s3;
	s6 =	simm.s32 @!p1 $0x1082;
	[sflag:s4] =	ssyncset.s32 $0xFFFFF086  }
0x25: {  	[simem:s6], [sflag:s4] =	dma.local [hbm:s3], $0xF7A  }
0x26: {  	[smem:$0x3F9F] =	sst s1;
	(tag) =	ssettag s2;
	_ =	strace s9  }
0x27: {  	s1 =	sld [smem:$0x3FAF]  }
0x28: {  	s2 =	sld [smem:$0x3FB0]  }
0x29: {  	s4 =	sld [smem:$0x3FB2]  }
0x2a: {  	p0 =	seq.s32 s5, $0x0;
	s5 =	sld [smem:$0x3FB3]  }
0x2b: {  	s6 =	sld [smem:$0x3FB4]  }
0x2c: {  	s7 =	sld [smem:$0x3FB5]  }
0x2d: {  	s3 =	simm.s32 $0x108;
	s8 =	sld [smem:$0x3FB6]  }
0x2e: {  	s3 =	simm.s32 @!p0 $0x1082;
	s9 =	sld [smem:$0x3FB7]  }
0x2f: {  	lr =	sadd.s32 s0, s3;
	s0 =	sld [smem:$0x3FAE]  }
0x30: {  	s3 =	sld [smem:$0x3FB1]  }
0x31: {  	[smem:$0x3FBA] =	sst s10  }
0x32: {  	s10 =	sld [smem:$0x3FB8];
	_ =	sdelay $0x3  }
0x33: {  	p0 =	seq.s32 s10, $0x1;
	s10 =	sld [smem:$0x3FBA];
	_ =	sdelay $0x3  }
0x34: {  	[smem:$0x3FBA] =	sst s10  }
0x35: {  	s10 =	sld [smem:$0x3FB9];
	_ =	sdelay $0x3  }
0x36: {  	p1 =	seq.s32 s10, $0x1;
	s10 =	sld [smem:$0x3FBA];
	_ =	sdelay $0x3  }
0x37: {  	[smem:$0x3FBA] =	sst s10  }
0x38: {  	s10 =	sld [smem:$0x3FBB]  }
0x39: {  	_ = 	snop;
	(pc) =	sbr.ind lr, $3  }
0x3a: {  	_ = 	snop  }
0x3b: {  	_ = 	snop  }
0x3c: {  	p2 =	seq.s32 s10, $0x1;
	s10 =	sld [smem:$0x3FBA]  }
0x3d: {  	_ =	shalt  }
0x3e: {  	_ =	shalt  }
0x3f: {  	_ =	shalt  }
0x40: {  	_ =	shalt  }
0x41: {  	_ =	shalt  }
0x42: {  	_ =	shalt  }
0x43: {  	_ =	shalt  }
0x44: {  	_ =	shalt  }
0x45: {  	_ =	shalt  }
0x46: {  	_ =	shalt  }
0x47: {  	_ =	shalt  }
0x48: {  	_ =	shalt  }
0x49: {  	_ =	shalt  }
0x4a: {  	_ =	shalt  }
0x4b: {  	_ =	shalt  }
0x4c: {  	_ =	shalt  }
0x4d: {  	_ =	shalt  }
0x4e: {  	_ =	shalt  }
0x4f: {  	_ =	shalt  }
0x50: {  	_ =	shalt  }
0x51: {  	_ =	shalt  }
0x52: {  	_ =	shalt  }
0x53: {  	_ =	shalt  }
0x54: {  	_ =	shalt  }
0x55: {  	_ =	shalt  }
0x56: {  	_ =	shalt  }
0x57: {  	_ =	shalt  }
0x58: {  	_ =	shalt  }
0x59: {  	_ =	shalt  }
0x5a: {  	_ =	shalt  }
0x5b: {  	_ =	shalt  }
0x5c: {  	_ =	shalt  }
0x5d: {  	_ =	shalt  }
0x5e: {  	_ =	shalt  }
0x5f: {  	_ =	shalt  }
0x60: {  	_ =	shalt  }
0x61: {  	_ =	shalt  }
0x62: {  	_ =	shalt  }
0x63: {  	_ =	shalt  }
0x64: {  	_ =	shalt  }
0x65: {  	_ =	shalt  }
0x66: {  	_ =	shalt  }
0x67: {  	_ =	shalt  }
0x68: {  	_ =	shalt  }
0x69: {  	_ =	shalt  }
0x6a: {  	_ =	shalt  }
0x6b: {  	_ =	shalt  }
0x6c: {  	_ =	shalt  }
0x6d: {  	_ =	shalt  }
0x6e: {  	_ =	shalt  }
0x6f: {  	_ =	shalt  }
0x70: {  	_ =	shalt  }
0x71: {  	_ =	shalt  }
0x72: {  	_ =	shalt  }
0x73: {  	_ =	shalt  }
0x74: {  	_ =	shalt  }
0x75: {  	_ =	shalt  }
0x76: {  	_ =	shalt  }
0x77: {  	_ =	shalt  }
0x78: {  	_ =	shalt  }
0x79: {  	_ =	shalt  }
0x7a: {  	_ =	shalt  }
0x7b: {  	_ =	shalt  }
0x7c: {  	_ =	shalt  }
0x7d: {  	_ =	shalt  }
0x7e: {  	_ =	shalt  }
0x7f: {  	_ =	shalt  }
0x80: {  	_ =	shalt  }
0x81: {  	_ =	shalt  }
0x82: {  	_ =	shalt  }
0x83: {  	_ =	shalt  }
0x84: {  	_ =	shalt  }
0x85: {  	_ =	shalt  }
0x86: {  	_ =	shalt  }
0x87: {  	_ =	shalt  }
.Lfunc_end0:
.L_simem_size_0:
called_computation_lowered:
.L_overlay_start_0:
0x88: {  	s2 =	sld [smem:$0x3FD9]  }
0x89: {  	s3 =	sld [smem:$0x3FFE];
	_ =	sdelay $0x1  }
0x8a: {  	s1 =	srdreg.scid  }
0x8b: {  	s0 =	sand.u32 $0x1, s1  }
0x8c: {  	s17 =	sshll.u32 s0, $0xA;
	s2 =	sadd.s32 s3, s2  }
0x8d: {  	s2 =	sadd.s32 s2, s17  }
0x8e: {  	[smem:$0x3FC6] =	sst s2  }
0x8f: {  	_ = 	snop  }
0x90: {  	s2 =	sld [smem:$0x3FD0];
	(tm) =	ssettm $0x1  }
0x91: {  	s18 =	sld [smem:$0x3FFB];
	_ =	sdelay $0x3  }
0x92: {  	_ =	strace s18  }
0x93: {  	s3 =	sld [smem:$0x3FFC];
	_ =	sdelay $0x3  }
0x94: {  	_ =	strace s3  }
0x95: {  	s3 =	sld [smem:$0x3FFD];
	_ =	sdelay $0x3  }
0x96: {  	_ =	strace s3  }
0x97: {  	_ =	strace $0x8FFFFFFF  }
0x98: {  	s19 =	sld [smem:$0x3FDB];
	_ =	sdelay $0x1  }
0x99: {  	s4 =	simm.s32 $_scs_section_size  }
0x9a: {  	s5 =	simm.s32 $_size__tile_overlayer_lowered;
	s6 =	simm.s32 $_tile_overlayer_lowered  }
0x9b: {  	s22 =	simm.s32 $0x1BFF;
	s21 =	sshll.u32 s6, $0x1;
	s3 =	sadd.s32 s4, s19  }
0x9c: {  	s7 =	simm.s32 $0x0;
	s20 =	sshll.u32 s5, $0x1;
	s5 =	sadd.s32 s21, s3  }
0x9d: {  	[timem:s7], [sflag:s22] =	dma.local [hbm:s5], s20  }
0x9e: {  	_ =	swait.ge [sflag:s22], s20  }
0x9f: {  	s4 =	ssub.s32 $0x0, s20;
	[sflag:s22] =	ssyncset.done $0x0  }
0xa0: {  	[sflag:s22] =	ssyncadd.s32 s4;
	_ =	sdelay $0x1  }
0xa1: {  	s23 =	simm.s32 $0x1B8B  }
0xa2: {  	_ =	swait.ge [sflag:s23], $0x1  }
0xa3: {  	[sflag:s23] =	ssyncset.done $0x0  }
0xa4: {  	s25 =	simm.s32 $0x1B8E;
	s24 =	sld [smem:$0x3FFE];
	[sflag:s23] =	ssyncadd.s32 $0xFFFFFFFF  }
0xa5: {  	s26 =	simm.s32 $execute0_lowered;
	[smem:$0x3FD2] =	sst s25  }
0xa6: {  	s5 =	sshll.u32 s26, $0x1;
	_ =	strace $0x80000046;
	[dreg:$0x1] =	wrdreg $0xFFFFFFFF  }
0xa7: {  	s28 =	simm.s32 $_size_execute0_lowered;
	s3 =	sadd.s32 s3, s5;
	[dreg:$0x0] =	wrdreg $0x0  }
0xa8: {  	s5 =	sshll.u32 s28, $0x1;
	[dreg:$0x2] =	wrdreg s3  }
0xa9: {  	[dreg:$0x3] =	wrdreg s5  }
0xaa: {  	[dreg:$0x4] =	wrdreg $0xC0  }
0xab: {  	_ =	task [dreg:s7], $0x5FFFF  }
0xac: {  	[dreg:$0x1] =	wrdreg $0xFFFFFFFF  }
0xad: {  	[dreg:$0x0] =	wrdreg $0x60  }
0xae: {  	[dreg:$0x2] =	wrdreg s24  }
0xaf: {  	[dreg:$0x3] =	wrdreg s2  }
0xb0: {  	[dreg:$0x4] =	wrdreg $0x9  }
0xb1: {  	_ =	task.clear_ibuf [dreg:s7], $0x5FFFF;
	_ =	strace $0x90000046  }
0xb2: {  	s29 =	simm.s32 $0x9;
	_ =	strace $0x80000048  }
0xb3: {  	_ =	swait.ge [sflag:s29], $0x1  }
0xb4: {  	[sflag:s29] =	ssyncadd.s32 $0xFFFFFFFF  }
0xb5: {  	_ =	strace $0x90000048  }
0xb6: {  	_ =	sfence  }
0xb7: {  	s30 =	sld [smem:$0x0];
	_ =	sdelay $0x2  }
0xb8: {  	s31 =	sshll.u32 s1, $0xD;
	s1 =	sshrl.u32 s1, $0x2  }
0xb9: {  	s3 =	sand.u32 $0x4000, s31;
	s1 =	sadd.s32 s1, s30  }
0xba: {  	s0 =	sor.u32 s3, s0;
	s1 =	sshll.u32 s1, $0x11  }
0xbb: {  	s0 =	sor.u32 s1, s0  }
0xbc: {  	s0 =	sadd.s32 $0x8F2B, s0  }
0xbd: {  	[sflag:s0] =	ssyncadd.remote.s32 $0x1  }
0xbe: {  	_ =	sfence.sel $0xFFFF  }
0xbf: {  	[dreg:$0x0] =	wrdreg $0xFFFFFFFF;
	(pc) =	sbr.abs _section_cstart, $3  }
0xc0: {  	[dreg:$0x1] =	wrdreg $0xFFFFFFFF  }
0xc1: {  	_ =	task.clear_ibuf [dreg:s7], $0x2FFFF;
	_ =	strace $0x9FFFFFFF  }
0xc2: {  	(tm) =	ssettm $0x7FFFFFFF  }
0xc3: {  	_ =	shalt  }
tec
execute0_lowered:
.L_overlay_start_1:
0x0: {  	(tag) =	ssettag $0x1  }
0x1: {  	s3 =	rddreg [dreg:$0x0];
	s1 =	srdreg.scid  }
0x2: {  	s0 =	stileid.u32;
	s5 =	rddreg [dreg:$0x1]  }
0x3: {  	s2 =	simm.s32 $0x0;
	s9 =	simm.s32 $0x6400;
	s10 =	simm.s32 $0x9600  }
0x4: {  	s11 =	simm.s32 $0x190;
	s12 =	simm.s32 $0xC800;
	s13 =	simm.s32 $0xFA00  }
0x5: {  	s14 =	simm.s32 $0x1;
	s15 =	simm.s32 $0x2;
	s16 =	simm.s32 $0x3  }
0x6: {  	s17 =	simm.s32 $0x4;
	s18 =	simm.s32 $0x12C00;
	s19 =	simm.s32 $0x0  }
0x7: {  	s4 =	sand.u32 $0x1, s1;
	s6 =	sshll.u32 s0, $0x1;
	s1 =	rddreg [dreg:$0x2]  }
0x8: {  	[smem:$0x7FF] =	sst s2;
	s6 =	sor.u32 s4, s6;
	s4 =	ssub.s32 $0x2, s4  }
0x9: {  	s7 =	smul.u32 $0xC80, s6;
	s8 =	sshrl.u32 s4, $0x1;
	s6 =	sshll.u32 s6, $0xA  }
0xa: {  	_ =	strace $0x80000047;
	s8 =	ssub.s32 s4, s8;
	s5 =	sadd.s32 s5, s6  }
0xb: {  	s7 =	sadd.s32 s7, s3;
	s3 =	sadd.s32 $0xF42A00, s3;
	s6 =	smax.u32 s8, $0x1  }
0xc: {  	s8 =	simm.s32 $0xC8;
	s4 =	sadd.s32 $0x600, s7;
	s7 =	simm.s32 $0x5  }
.LBB2_1:
0xd: {  	[tilespmem:s2], [sflag:$0x5] =	stream.linear.gather [hbm4b:s4+s2], $0x6400, $0x38;
	[tilespmem:$0x14C00] =	vst v63  }
0xe: {  	_ =	swait.ge [sflag:s7], $0x6400  }
0xf: {  	[sflag:s7] =	ssyncset.done $0x0  }
0x10: {  	[sflag:s7] =	ssyncadd.s32 $0xFFFF9C00  }
0x11: {  	[tilespmem:s9], [sflag:$0x1] =	stream.indirect.gather [hbm4b:s3+s8], $0x40, s2, s8, $0xb8;
	[tilespmem:$0x14C00] =	vst v63  }
0x12: {  	_ = 	snop  }
0x13: {  	[tilespmem:s10], [sflag:$0x2] =	stream.indirect.gather [hbm4b:s3+s8], $0x40, s8, s8, $0xb8;
	[tilespmem:$0x14C00] =	vst v63  }
0x14: {  	s20 =	simm.s32 $0x0  }
0x15: {  	[tilespmem:s12], [sflag:$0x3] =	stream.indirect.gather [hbm4b:s3+s8], $0x40, s11, s8, $0xb8;
	[tilespmem:$0x14C00] =	vst v63  }
.LBB2_2:
0x16: {  	s21 =	sshllo.u32 s20, $0x2  }
0x17: {  	s22 =	smul.u32 $0x320, s21;
	_ =	sdelay $0x1  }
0x18: {  	s22 =	sshra.s32 s22, $0x2  }
0x19: {  	[tilespmem:s13], [sflag:$0x4] =	stream.indirect.gather [hbm4b:s3+s8], $0x40, s22, s8, $0xb8;
	[tilespmem:$0x14C00] =	vst v63  }
0x1a: {  	_ =	swait.ge [sflag:s14], $0x3200  }
0x1b: {  	[sflag:s14] =	ssyncset.done $0x0  }
0x1c: {  	s22 =	simm.s32 $0x0;
	[sflag:s14] =	ssyncadd.s32 $0xFFFFCE00  }
0x1d: {  	v0 =	vld [tilespmem:s22+$0x65C0]  }
0x1e: {  	v1 =	vld [tilespmem:s22+$0x65D0]  }
0x1f: {  	v2 =	vld [tilespmem:s22+$0x6580]  }
0x20: {  	v3 =	vld [tilespmem:s22+$0x6590]  }
0x21: {  	v4 =	vld [tilespmem:s22+$0x6540]  }
0x22: {  	v5 =	vld [tilespmem:s22+$0x6550]  }
0x23: {  	v6 =	vld [tilespmem:s22+$0x6500]  }
0x24: {  	v7 =	vld [tilespmem:s22+$0x6510]  }
0x25: {  	v9 =	vld [tilespmem:s22+$0x64C0]  }
0x26: {  	v8 =	vld [tilespmem:s22+$0x64D0]  }
0x27: {  	v11 =	vld [tilespmem:s22+$0x6480]  }
0x28: {  	v10 =	vld [tilespmem:s22+$0x6490]  }
0x29: {  	v17 =	vld [tilespmem:s22+$0x6440]  }
0x2a: {  	v16 =	vld [tilespmem:s22+$0x6450]  }
0x2b: {  	v19 =	vld [tilespmem:s22+$0x6400]  }
0x2c: {  	v12 =	vimm.f32 $0.0e+00;
	v20 =	vld [tilespmem:s22+$0x6410]  }
0x2d: {  	s23 =	simm.s32 $0x800;
	v15 =	vimm.f32 $0.0e+00;
	v14 =	vimm.f32 $0.0e+00;
	v13 =	vimm.f32 $0.0e+00;
	v18 =	vld [tilespmem:s22+$0x6420]  }
.LBB2_3:
0x2e: {  	p0 =	sne.s32 s23, $0xC000;
	v21 =	vld [tilespmem:s22+$0x6430]  }
0x2f: {  	v22 =	vld [tilespmem:s22+$0x6460]  }
0x30: {  	v23 =	vld [tilespmem:s22+$0x6470]  }
0x31: {  	v24 =	vld [tilespmem:s22+$0x64A0]  }
0x32: {  	v12 =	vadd.f32 v19, v12;
	v15 =	vadd.f32 v20, v15;
	v19 =	vld [tilespmem:s22+$0x64B0]  }
0x33: {  	v14 =	vadd.f32 v18, v14;
	v13 =	vadd.f32 v21, v13;
	v18 =	vld [tilespmem:s22+$0x64E0]  }
0x34: {  	v12 =	vadd.f32 v17, v12;
	v15 =	vadd.f32 v16, v15;
	v16 =	vld [tilespmem:s22+$0x64F0]  }
0x35: {  	v14 =	vadd.f32 v22, v14;
	v13 =	vadd.f32 v23, v13;
	v17 =	vld [tilespmem:s22+$0x6520]  }
0x36: {  	v11 =	vadd.f32 v11, v12;
	v10 =	vadd.f32 v10, v15;
	v12 =	vld [tilespmem:s22+$0x6530]  }
0x37: {  	v14 =	vadd.f32 v24, v14;
	v13 =	vadd.f32 v19, v13;
	v15 =	vld [tilespmem:s22+$0x6560]  }
0x38: {  	v9 =	vadd.f32 v9, v11;
	v8 =	vadd.f32 v8, v10;
	v10 =	vld [tilespmem:s22+$0x6570]  }
0x39: {  	v11 =	vadd.f32 v18, v14;
	v13 =	vadd.f32 v16, v13;
	v14 =	vld [tilespmem:s22+$0x65A0]  }
0x3a: {  	v6 =	vadd.f32 v6, v9;
	v7 =	vadd.f32 v7, v8;
	v8 =	vld [tilespmem:s22+$0x65B0]  }
0x3b: {  	v9 =	vadd.f32 v17, v11;
	v11 =	vadd.f32 v12, v13;
	v13 =	vld [tilespmem:s22+$0x65E0]  }
0x3c: {  	v4 =	vadd.f32 v4, v6;
	v5 =	vadd.f32 v5, v7;
	v6 =	vld [tilespmem:s22+$0x65F0];
	s22 =	sshra.s32 s23, $0x2  }
0x3d: {  	v9 =	vadd.f32 v15, v9;
	v7 =	vld [tilespmem:s22+$0x65C0];
	v10 =	vadd.f32 v10, v11  }
0x3e: {  	v4 =	vadd.f32 v2, v4;
	v5 =	vadd.f32 v3, v5;
	v11 =	vld [tilespmem:s22+$0x65D0]  }
0x3f: {  	v9 =	vadd.f32 v14, v9;
	v2 =	vld [tilespmem:s22+$0x6580];
	v8 =	vadd.f32 v8, v10  }
0x40: {  	v12 =	vadd.f32 v0, v4;
	v15 =	vadd.f32 v1, v5;
	v3 =	vld [tilespmem:s22+$0x6590]  }
0x41: {  	v14 =	vadd.f32 v13, v9;
	v4 =	vld [tilespmem:s22+$0x6540];
	v13 =	vadd.f32 v6, v8  }
0x42: {  	v5 =	vld [tilespmem:s22+$0x6550];
	v0 =	vmov v7  }
0x43: {  	v6 =	vld [tilespmem:s22+$0x6500];
	v1 =	vmov v11  }
0x44: {  	v7 =	vld [tilespmem:s22+$0x6510]  }
0x45: {  	v9 =	vld [tilespmem:s22+$0x64C0]  }
0x46: {  	v8 =	vld [tilespmem:s22+$0x64D0]  }
0x47: {  	v11 =	vld [tilespmem:s22+$0x6480]  }
0x48: {  	v10 =	vld [tilespmem:s22+$0x6490]  }
.Ltmp0:
0x49: {  	v17 =	vld [tilespmem:s22+$0x6440];
	(pc) =	sbr.rel @p0 .LBB2_3-.Ltmp0, $4  }
0x4a: {  	v16 =	vld [tilespmem:s22+$0x6450]  }
0x4b: {  	v19 =	vld [tilespmem:s22+$0x6400]  }
0x4c: {  	v20 =	vld [tilespmem:s22+$0x6410]  }
0x4d: {  	s23 =	sadd.s32 $0x800, s23;
	v18 =	vld [tilespmem:s22+$0x6420]  }
0x4e: {  	v21 =	vld [tilespmem:s22+$0x6430]  }
0x4f: {  	v22 =	vld [tilespmem:s22+$0x6460]  }
0x50: {  	v23 =	vld [tilespmem:s22+$0x6470];
	v12 =	vadd.f32 v19, v12  }
0x51: {  	v19 =	vld [tilespmem:s22+$0x64A0];
	v15 =	vadd.f32 v20, v15  }
0x52: {  	v20 =	vld [tilespmem:s22+$0x64B0];
	v14 =	vadd.f32 v18, v14;
	v12 =	vadd.f32 v17, v12  }
0x53: {  	v17 =	vld [tilespmem:s22+$0x64E0];
	v13 =	vadd.f32 v21, v13;
	v15 =	vadd.f32 v16, v15  }
0x54: {  	v16 =	vld [tilespmem:s22+$0x64F0];
	v14 =	vadd.f32 v22, v14;
	v11 =	vadd.f32 v11, v12  }
0x55: {  	v12 =	vadd.f32 v23, v13;
	v13 =	vld [tilespmem:s22+$0x6520];
	v10 =	vadd.f32 v10, v15  }
0x56: {  	v15 =	vld [tilespmem:s22+$0x6530];
	v14 =	vadd.f32 v19, v14;
	v9 =	vadd.f32 v9, v11  }
0x57: {  	v11 =	vadd.f32 v20, v12;
	v12 =	vld [tilespmem:s22+$0x6560];
	v8 =	vadd.f32 v8, v10  }
0x58: {  	v10 =	vld [tilespmem:s22+$0x6570];
	v14 =	vadd.f32 v17, v14;
	v6 =	vadd.f32 v6, v9  }
0x59: {  	v9 =	vadd.f32 v16, v11;
	v11 =	vld [tilespmem:s22+$0x65A0];
	v7 =	vadd.f32 v7, v8  }
0x5a: {  	v8 =	vld [tilespmem:s22+$0x65B0];
	v13 =	vadd.f32 v13, v14;
	v4 =	vadd.f32 v4, v6  }
0x5b: {  	v6 =	vadd.f32 v15, v9;
	v9 =	vld [tilespmem:s22+$0x65E0];
	v5 =	vadd.f32 v5, v7  }
0x5c: {  	v7 =	vld [tilespmem:s22+$0x65F0];
	v12 =	vadd.f32 v12, v13;
	v2 =	vadd.f32 v2, v4  }
0x5d: {  	v4 =	vadd.f32 v10, v6;
	v3 =	vadd.f32 v3, v5  }
0x5e: {  	s31 =	sshll.u32 s20, $0x8;
	v5 =	vadd.f32 v11, v12;
	v0 =	vadd.f32 v0, v2  }
0x5f: {  	p0 =	seq.s32 s20, $0x1F;
	s22 =	sand.u32 $0x3FFFFF00, s31;
	v2 =	vadd.f32 v8, v4;
	v1 =	vadd.f32 v1, v3  }
0x60: {  	s23 =	smul.u32 @!p0 $0xC80, s20;
	v3 =	vadd.f32 v9, v5;
	[tilespmem:s22+$0x12C00] =	vst v0  }
0x61: {  	v0 =	vadd.f32 v7, v2;
	[tilespmem:s22+$0x12C10] =	vst v1  }
0x62: {  	s23 =	sshra.s32 @!p0 s23, $0x2;
	[tilespmem:s22+$0x12C20] =	vst v3  }
0x63: {  	s25 =	simm.s32 @!p0 $0xC8;
	s26 =	simm.s32 @!p0 $0x6400;
	s24 =	sadd.s32 @!p0 $0x320, s23;
	[tilespmem:s22+$0x12C30] =	vst v0  }
0x64: {  	[tilespmem:s26], [sflag:$0x1] =	stream.indirect.gather @!p0 [hbm4b:s3+s25], $0x40, s24, s25, $0xb8;
	[tilespmem:$0x14C00] =	vst v63  }
0x65: {  	_ =	swait.ge [sflag:s15], $0x3200  }
0x66: {  	[sflag:s15] =	ssyncset.done $0x0  }
0x67: {  	s24 =	simm.s32 $0x0;
	[sflag:s15] =	ssyncadd.s32 $0xFFFFCE00  }
0x68: {  	v0 =	vld [tilespmem:s24+$0x97C0]  }
0x69: {  	v1 =	vld [tilespmem:s24+$0x97D0]  }
0x6a: {  	v2 =	vld [tilespmem:s24+$0x9780]  }
0x6b: {  	v3 =	vld [tilespmem:s24+$0x9790]  }
0x6c: {  	v4 =	vld [tilespmem:s24+$0x9740]  }
0x6d: {  	v5 =	vld [tilespmem:s24+$0x9750]  }
0x6e: {  	v6 =	vld [tilespmem:s24+$0x9700]  }
0x6f: {  	v7 =	vld [tilespmem:s24+$0x9710]  }
0x70: {  	v9 =	vld [tilespmem:s24+$0x96C0]  }
0x71: {  	v8 =	vld [tilespmem:s24+$0x96D0]  }
0x72: {  	v11 =	vld [tilespmem:s24+$0x9680]  }
0x73: {  	v10 =	vld [tilespmem:s24+$0x9690]  }
0x74: {  	v17 =	vld [tilespmem:s24+$0x9640]  }
0x75: {  	v16 =	vld [tilespmem:s24+$0x9650]  }
0x76: {  	v19 =	vld [tilespmem:s24+$0x9600]  }
0x77: {  	v14 =	vimm.f32 $0.0e+00;
	v20 =	vld [tilespmem:s24+$0x9610]  }
0x78: {  	v15 =	vimm.f32 $0.0e+00;
	v13 =	vimm.f32 $0.0e+00;
	v12 =	vimm.f32 $0.0e+00;
	s25 =	simm.s32 $0x800;
	v18 =	vld [tilespmem:s24+$0x9620]  }
.LBB2_5:
0x79: {  	p1 =	sne.s32 s25, $0xC000;
	v21 =	vld [tilespmem:s24+$0x9630]  }
0x7a: {  	v22 =	vld [tilespmem:s24+$0x9660]  }
0x7b: {  	v23 =	vld [tilespmem:s24+$0x9670]  }
0x7c: {  	v24 =	vld [tilespmem:s24+$0x96A0]  }
0x7d: {  	v12 =	vadd.f32 v19, v12;
	v15 =	vadd.f32 v20, v15;
	v19 =	vld [tilespmem:s24+$0x96B0]  }
0x7e: {  	v14 =	vadd.f32 v18, v14;
	v13 =	vadd.f32 v21, v13;
	v18 =	vld [tilespmem:s24+$0x96E0]  }
0x7f: {  	v12 =	vadd.f32 v17, v12;
	v15 =	vadd.f32 v16, v15;
	v16 =	vld [tilespmem:s24+$0x96F0]  }
0x80: {  	v14 =	vadd.f32 v22, v14;
	v13 =	vadd.f32 v23, v13;
	v17 =	vld [tilespmem:s24+$0x9720]  }
0x81: {  	v11 =	vadd.f32 v11, v12;
	v10 =	vadd.f32 v10, v15;
	v12 =	vld [tilespmem:s24+$0x9730]  }
0x82: {  	v14 =	vadd.f32 v24, v14;
	v13 =	vadd.f32 v19, v13;
	v15 =	vld [tilespmem:s24+$0x9760]  }
0x83: {  	v9 =	vadd.f32 v9, v11;
	v8 =	vadd.f32 v8, v10;
	v10 =	vld [tilespmem:s24+$0x9770]  }
0x84: {  	v11 =	vadd.f32 v18, v14;
	v13 =	vadd.f32 v16, v13;
	v14 =	vld [tilespmem:s24+$0x97A0]  }
0x85: {  	v6 =	vadd.f32 v6, v9;
	v7 =	vadd.f32 v7, v8;
	v8 =	vld [tilespmem:s24+$0x97B0]  }
0x86: {  	v9 =	vadd.f32 v17, v11;
	v11 =	vadd.f32 v12, v13;
	v13 =	vld [tilespmem:s24+$0x97E0]  }
0x87: {  	v4 =	vadd.f32 v4, v6;
	v5 =	vadd.f32 v5, v7;
	v6 =	vld [tilespmem:s24+$0x97F0];
	s24 =	sshra.s32 s25, $0x2  }
0x88: {  	v9 =	vadd.f32 v15, v9;
	v7 =	vld [tilespmem:s24+$0x97C0];
	v10 =	vadd.f32 v10, v11  }
0x89: {  	v4 =	vadd.f32 v2, v4;
	v5 =	vadd.f32 v3, v5;
	v11 =	vld [tilespmem:s24+$0x97D0]  }
0x8a: {  	v9 =	vadd.f32 v14, v9;
	v2 =	vld [tilespmem:s24+$0x9780];
	v8 =	vadd.f32 v8, v10  }
0x8b: {  	v12 =	vadd.f32 v0, v4;
	v15 =	vadd.f32 v1, v5;
	v3 =	vld [tilespmem:s24+$0x9790]  }
0x8c: {  	v14 =	vadd.f32 v13, v9;
	v4 =	vld [tilespmem:s24+$0x9740];
	v13 =	vadd.f32 v6, v8  }
0x8d: {  	v5 =	vld [tilespmem:s24+$0x9750];
	v0 =	vmov v7  }
0x8e: {  	v6 =	vld [tilespmem:s24+$0x9700];
	v1 =	vmov v11  }
0x8f: {  	v7 =	vld [tilespmem:s24+$0x9710]  }
0x90: {  	v9 =	vld [tilespmem:s24+$0x96C0]  }
0x91: {  	v8 =	vld [tilespmem:s24+$0x96D0]  }
0x92: {  	v11 =	vld [tilespmem:s24+$0x9680]  }
0x93: {  	v10 =	vld [tilespmem:s24+$0x9690]  }
.Ltmp1:
0x94: {  	v17 =	vld [tilespmem:s24+$0x9640];
	(pc) =	sbr.rel @p1 .LBB2_5-.Ltmp1, $4  }
0x95: {  	v16 =	vld [tilespmem:s24+$0x9650]  }
0x96: {  	v19 =	vld [tilespmem:s24+$0x9600]  }
0x97: {  	v20 =	vld [tilespmem:s24+$0x9610]  }
0x98: {  	s25 =	sadd.s32 $0x800, s25;
	v18 =	vld [tilespmem:s24+$0x9620]  }
0x99: {  	v21 =	vld [tilespmem:s24+$0x9630]  }
0x9a: {  	v22 =	vld [tilespmem:s24+$0x9660]  }
0x9b: {  	v23 =	vld [tilespmem:s24+$0x9670];
	v12 =	vadd.f32 v19, v12  }
0x9c: {  	v19 =	vld [tilespmem:s24+$0x96A0];
	v15 =	vadd.f32 v20, v15  }
0x9d: {  	v20 =	vld [tilespmem:s24+$0x96B0];
	v14 =	vadd.f32 v18, v14;
	v12 =	vadd.f32 v17, v12  }
0x9e: {  	v17 =	vld [tilespmem:s24+$0x96E0];
	v13 =	vadd.f32 v21, v13;
	v15 =	vadd.f32 v16, v15  }
0x9f: {  	v16 =	vld [tilespmem:s24+$0x96F0];
	v14 =	vadd.f32 v22, v14;
	v11 =	vadd.f32 v11, v12  }
0xa0: {  	v12 =	vadd.f32 v23, v13;
	v13 =	vld [tilespmem:s24+$0x9720];
	v10 =	vadd.f32 v10, v15  }
0xa1: {  	v15 =	vld [tilespmem:s24+$0x9730];
	v14 =	vadd.f32 v19, v14;
	v9 =	vadd.f32 v9, v11  }
0xa2: {  	v11 =	vadd.f32 v20, v12;
	v12 =	vld [tilespmem:s24+$0x9760];
	v8 =	vadd.f32 v8, v10  }
0xa3: {  	v10 =	vld [tilespmem:s24+$0x9770];
	v14 =	vadd.f32 v17, v14;
	v6 =	vadd.f32 v6, v9  }
0xa4: {  	v9 =	vadd.f32 v16, v11;
	v11 =	vld [tilespmem:s24+$0x97A0];
	v7 =	vadd.f32 v7, v8  }
0xa5: {  	v8 =	vld [tilespmem:s24+$0x97B0];
	v13 =	vadd.f32 v13, v14;
	v4 =	vadd.f32 v4, v6  }
0xa6: {  	v6 =	vadd.f32 v15, v9;
	v9 =	vld [tilespmem:s24+$0x97E0];
	v5 =	vadd.f32 v5, v7  }
0xa7: {  	v7 =	vld [tilespmem:s24+$0x97F0];
	v12 =	vadd.f32 v12, v13;
	v2 =	vadd.f32 v2, v4  }
0xa8: {  	v4 =	vadd.f32 v10, v6;
	v3 =	vadd.f32 v3, v5  }
0xa9: {  	v5 =	vadd.f32 v11, v12;
	v0 =	vadd.f32 v0, v2  }
0xaa: {  	v2 =	vadd.f32 v8, v4;
	v1 =	vadd.f32 v1, v3  }
0xab: {  	v3 =	vadd.f32 v9, v5;
	[tilespmem:s22+$0x12C40] =	vst v0  }
0xac: {  	v0 =	vadd.f32 v7, v2;
	[tilespmem:s22+$0x12C50] =	vst v1  }
0xad: {  	[tilespmem:s22+$0x12C60] =	vst v3  }
0xae: {  	s25 =	simm.s32 @!p0 $0xC8;
	s26 =	simm.s32 @!p0 $0x9600;
	s24 =	sadd.s32 @!p0 $0x3E8, s23;
	[tilespmem:s22+$0x12C70] =	vst v0  }
0xaf: {  	[tilespmem:s26], [sflag:$0x2] =	stream.indirect.gather @!p0 [hbm4b:s3+s25], $0x40, s24, s25, $0xb8;
	[tilespmem:$0x14C00] =	vst v63  }
0xb0: {  	_ =	swait.ge [sflag:s16], $0x3200  }
0xb1: {  	[sflag:s16] =	ssyncset.done $0x0  }
0xb2: {  	s24 =	simm.s32 $0x0;
	[sflag:s16] =	ssyncadd.s32 $0xFFFFCE00  }
0xb3: {  	v0 =	vld [tilespmem:s24+$0xC9C0]  }
0xb4: {  	v1 =	vld [tilespmem:s24+$0xC9D0]  }
0xb5: {  	v2 =	vld [tilespmem:s24+$0xC980]  }
0xb6: {  	v3 =	vld [tilespmem:s24+$0xC990]  }
0xb7: {  	v4 =	vld [tilespmem:s24+$0xC940]  }
0xb8: {  	v5 =	vld [tilespmem:s24+$0xC950]  }
0xb9: {  	v6 =	vld [tilespmem:s24+$0xC900]  }
0xba: {  	v7 =	vld [tilespmem:s24+$0xC910]  }
0xbb: {  	v9 =	vld [tilespmem:s24+$0xC8C0]  }
0xbc: {  	v8 =	vld [tilespmem:s24+$0xC8D0]  }
0xbd: {  	v11 =	vld [tilespmem:s24+$0xC880]  }
0xbe: {  	v10 =	vld [tilespmem:s24+$0xC890]  }
0xbf: {  	v17 =	vld [tilespmem:s24+$0xC840]  }
0xc0: {  	v16 =	vld [tilespmem:s24+$0xC850]  }
0xc1: {  	v19 =	vld [tilespmem:s24+$0xC800]  }
0xc2: {  	v14 =	vimm.f32 $0.0e+00;
	v20 =	vld [tilespmem:s24+$0xC810]  }
0xc3: {  	v15 =	vimm.f32 $0.0e+00;
	v13 =	vimm.f32 $0.0e+00;
	v12 =	vimm.f32 $0.0e+00;
	s25 =	simm.s32 $0x800;
	v18 =	vld [tilespmem:s24+$0xC820]  }
.LBB2_7:
0xc4: {  	p1 =	sne.s32 s25, $0xC000;
	v21 =	vld [tilespmem:s24+$0xC830]  }
0xc5: {  	v22 =	vld [tilespmem:s24+$0xC860]  }
0xc6: {  	v23 =	vld [tilespmem:s24+$0xC870]  }
0xc7: {  	v24 =	vld [tilespmem:s24+$0xC8A0]  }
0xc8: {  	v12 =	vadd.f32 v19, v12;
	v15 =	vadd.f32 v20, v15;
	v19 =	vld [tilespmem:s24+$0xC8B0]  }
0xc9: {  	v14 =	vadd.f32 v18, v14;
	v13 =	vadd.f32 v21, v13;
	v18 =	vld [tilespmem:s24+$0xC8E0]  }
0xca: {  	v12 =	vadd.f32 v17, v12;
	v15 =	vadd.f32 v16, v15;
	v16 =	vld [tilespmem:s24+$0xC8F0]  }
0xcb: {  	v14 =	vadd.f32 v22, v14;
	v13 =	vadd.f32 v23, v13;
	v17 =	vld [tilespmem:s24+$0xC920]  }
0xcc: {  	v11 =	vadd.f32 v11, v12;
	v10 =	vadd.f32 v10, v15;
	v12 =	vld [tilespmem:s24+$0xC930]  }
0xcd: {  	v14 =	vadd.f32 v24, v14;
	v13 =	vadd.f32 v19, v13;
	v15 =	vld [tilespmem:s24+$0xC960]  }
0xce: {  	v9 =	vadd.f32 v9, v11;
	v8 =	vadd.f32 v8, v10;
	v10 =	vld [tilespmem:s24+$0xC970]  }
0xcf: {  	v11 =	vadd.f32 v18, v14;
	v13 =	vadd.f32 v16, v13;
	v14 =	vld [tilespmem:s24+$0xC9A0]  }
0xd0: {  	v6 =	vadd.f32 v6, v9;
	v7 =	vadd.f32 v7, v8;
	v8 =	vld [tilespmem:s24+$0xC9B0]  }
0xd1: {  	v9 =	vadd.f32 v17, v11;
	v11 =	vadd.f32 v12, v13;
	v13 =	vld [tilespmem:s24+$0xC9E0]  }
0xd2: {  	v4 =	vadd.f32 v4, v6;
	v5 =	vadd.f32 v5, v7;
	v6 =	vld [tilespmem:s24+$0xC9F0];
	s24 =	sshra.s32 s25, $0x2  }
0xd3: {  	v9 =	vadd.f32 v15, v9;
	v7 =	vld [tilespmem:s24+$0xC9C0];
	v10 =	vadd.f32 v10, v11  }
0xd4: {  	v4 =	vadd.f32 v2, v4;
	v5 =	vadd.f32 v3, v5;
	v11 =	vld [tilespmem:s24+$0xC9D0]  }
0xd5: {  	v9 =	vadd.f32 v14, v9;
	v2 =	vld [tilespmem:s24+$0xC980];
	v8 =	vadd.f32 v8, v10  }
0xd6: {  	v12 =	vadd.f32 v0, v4;
	v15 =	vadd.f32 v1, v5;
	v3 =	vld [tilespmem:s24+$0xC990]  }
0xd7: {  	v14 =	vadd.f32 v13, v9;
	v4 =	vld [tilespmem:s24+$0xC940];
	v13 =	vadd.f32 v6, v8  }
0xd8: {  	v5 =	vld [tilespmem:s24+$0xC950];
	v0 =	vmov v7  }
0xd9: {  	v6 =	vld [tilespmem:s24+$0xC900];
	v1 =	vmov v11  }
0xda: {  	v7 =	vld [tilespmem:s24+$0xC910]  }
0xdb: {  	v9 =	vld [tilespmem:s24+$0xC8C0]  }
0xdc: {  	v8 =	vld [tilespmem:s24+$0xC8D0]  }
0xdd: {  	v11 =	vld [tilespmem:s24+$0xC880]  }
0xde: {  	v10 =	vld [tilespmem:s24+$0xC890]  }
.Ltmp2:
0xdf: {  	v17 =	vld [tilespmem:s24+$0xC840];
	(pc) =	sbr.rel @p1 .LBB2_7-.Ltmp2, $4  }
0xe0: {  	v16 =	vld [tilespmem:s24+$0xC850]  }
0xe1: {  	v19 =	vld [tilespmem:s24+$0xC800]  }
0xe2: {  	v20 =	vld [tilespmem:s24+$0xC810]  }
0xe3: {  	s25 =	sadd.s32 $0x800, s25;
	v18 =	vld [tilespmem:s24+$0xC820]  }
0xe4: {  	v21 =	vld [tilespmem:s24+$0xC830]  }
0xe5: {  	v22 =	vld [tilespmem:s24+$0xC860]  }
0xe6: {  	v23 =	vld [tilespmem:s24+$0xC870];
	v12 =	vadd.f32 v19, v12  }
0xe7: {  	v19 =	vld [tilespmem:s24+$0xC8A0];
	v15 =	vadd.f32 v20, v15  }
0xe8: {  	v20 =	vld [tilespmem:s24+$0xC8B0];
	v14 =	vadd.f32 v18, v14;
	v12 =	vadd.f32 v17, v12  }
0xe9: {  	v17 =	vld [tilespmem:s24+$0xC8E0];
	v13 =	vadd.f32 v21, v13;
	v15 =	vadd.f32 v16, v15  }
0xea: {  	v16 =	vld [tilespmem:s24+$0xC8F0];
	v14 =	vadd.f32 v22, v14;
	v11 =	vadd.f32 v11, v12  }
0xeb: {  	v12 =	vadd.f32 v23, v13;
	v13 =	vld [tilespmem:s24+$0xC920];
	v10 =	vadd.f32 v10, v15  }
0xec: {  	v15 =	vld [tilespmem:s24+$0xC930];
	v14 =	vadd.f32 v19, v14;
	v9 =	vadd.f32 v9, v11  }
0xed: {  	v11 =	vadd.f32 v20, v12;
	v12 =	vld [tilespmem:s24+$0xC960];
	v8 =	vadd.f32 v8, v10  }
0xee: {  	v10 =	vld [tilespmem:s24+$0xC970];
	v14 =	vadd.f32 v17, v14;
	v6 =	vadd.f32 v6, v9  }
0xef: {  	v9 =	vadd.f32 v16, v11;
	v11 =	vld [tilespmem:s24+$0xC9A0];
	v7 =	vadd.f32 v7, v8  }
0xf0: {  	v8 =	vld [tilespmem:s24+$0xC9B0];
	v13 =	vadd.f32 v13, v14;
	v4 =	vadd.f32 v4, v6  }
0xf1: {  	v6 =	vadd.f32 v15, v9;
	v9 =	vld [tilespmem:s24+$0xC9E0];
	v5 =	vadd.f32 v5, v7  }
0xf2: {  	v7 =	vld [tilespmem:s24+$0xC9F0];
	v12 =	vadd.f32 v12, v13;
	v2 =	vadd.f32 v2, v4  }
0xf3: {  	v4 =	vadd.f32 v10, v6;
	v3 =	vadd.f32 v3, v5  }
0xf4: {  	v5 =	vadd.f32 v11, v12;
	v0 =	vadd.f32 v0, v2  }
0xf5: {  	v2 =	vadd.f32 v8, v4;
	v1 =	vadd.f32 v1, v3  }
0xf6: {  	v3 =	vadd.f32 v9, v5;
	[tilespmem:s22+$0x12C80] =	vst v0  }
0xf7: {  	v0 =	vadd.f32 v7, v2;
	[tilespmem:s22+$0x12C90] =	vst v1  }
0xf8: {  	[tilespmem:s22+$0x12CA0] =	vst v3  }
0xf9: {  	s24 =	simm.s32 @!p0 $0xC800;
	[tilespmem:s22+$0x12CB0] =	vst v0;
	s22 =	sadd.s32 @!p0 $0x4B0, s23;
	s23 =	simm.s32 @!p0 $0xC8  }
0xfa: {  	[tilespmem:s24], [sflag:$0x3] =	stream.indirect.gather @!p0 [hbm4b:s3+s23], $0x40, s22, s23, $0xb8;
	[tilespmem:$0x14C00] =	vst v63  }
0xfb: {  	_ =	swait.ge [sflag:s17], $0x3200  }
0xfc: {  	[sflag:s17] =	ssyncset.done $0x0  }
0xfd: {  	s22 =	simm.s32 $0x0;
	[sflag:s17] =	ssyncadd.s32 $0xFFFFCE00  }
0xfe: {  	v0 =	vld [tilespmem:s22+$0xFBC0]  }
0xff: {  	v1 =	vld [tilespmem:s22+$0xFBD0]  }
0x100: {  	v2 =	vld [tilespmem:s22+$0xFB80]  }
0x101: {  	v3 =	vld [tilespmem:s22+$0xFB90]  }
0x102: {  	v4 =	vld [tilespmem:s22+$0xFB40]  }
0x103: {  	v5 =	vld [tilespmem:s22+$0xFB50]  }
0x104: {  	v6 =	vld [tilespmem:s22+$0xFB00]  }
0x105: {  	v7 =	vld [tilespmem:s22+$0xFB10]  }
0x106: {  	v9 =	vld [tilespmem:s22+$0xFAC0]  }
0x107: {  	v8 =	vld [tilespmem:s22+$0xFAD0]  }
0x108: {  	v11 =	vld [tilespmem:s22+$0xFA80]  }
0x109: {  	v10 =	vld [tilespmem:s22+$0xFA90]  }
0x10a: {  	v17 =	vld [tilespmem:s22+$0xFA40]  }
0x10b: {  	v16 =	vld [tilespmem:s22+$0xFA50]  }
0x10c: {  	v19 =	vld [tilespmem:s22+$0xFA00]  }
0x10d: {  	v14 =	vimm.f32 $0.0e+00;
	v20 =	vld [tilespmem:s22+$0xFA10]  }
0x10e: {  	v15 =	vimm.f32 $0.0e+00;
	v13 =	vimm.f32 $0.0e+00;
	v12 =	vimm.f32 $0.0e+00;
	s23 =	simm.s32 $0x800;
	v18 =	vld [tilespmem:s22+$0xFA20]  }
.LBB2_9:
0x10f: {  	p0 =	sne.s32 s23, $0xC000;
	v21 =	vld [tilespmem:s22+$0xFA30]  }
0x110: {  	v22 =	vld [tilespmem:s22+$0xFA60]  }
0x111: {  	v23 =	vld [tilespmem:s22+$0xFA70]  }
0x112: {  	v24 =	vld [tilespmem:s22+$0xFAA0]  }
0x113: {  	v12 =	vadd.f32 v19, v12;
	v15 =	vadd.f32 v20, v15;
	v19 =	vld [tilespmem:s22+$0xFAB0]  }
0x114: {  	v14 =	vadd.f32 v18, v14;
	v13 =	vadd.f32 v21, v13;
	v18 =	vld [tilespmem:s22+$0xFAE0]  }
0x115: {  	v12 =	vadd.f32 v17, v12;
	v15 =	vadd.f32 v16, v15;
	v16 =	vld [tilespmem:s22+$0xFAF0]  }
0x116: {  	v14 =	vadd.f32 v22, v14;
	v13 =	vadd.f32 v23, v13;
	v17 =	vld [tilespmem:s22+$0xFB20]  }
0x117: {  	v11 =	vadd.f32 v11, v12;
	v10 =	vadd.f32 v10, v15;
	v12 =	vld [tilespmem:s22+$0xFB30]  }
0x118: {  	v14 =	vadd.f32 v24, v14;
	v13 =	vadd.f32 v19, v13;
	v15 =	vld [tilespmem:s22+$0xFB60]  }
0x119: {  	v9 =	vadd.f32 v9, v11;
	v8 =	vadd.f32 v8, v10;
	v10 =	vld [tilespmem:s22+$0xFB70]  }
0x11a: {  	v11 =	vadd.f32 v18, v14;
	v13 =	vadd.f32 v16, v13;
	v14 =	vld [tilespmem:s22+$0xFBA0]  }
0x11b: {  	v6 =	vadd.f32 v6, v9;
	v7 =	vadd.f32 v7, v8;
	v8 =	vld [tilespmem:s22+$0xFBB0]  }
0x11c: {  	v9 =	vadd.f32 v17, v11;
	v11 =	vadd.f32 v12, v13;
	v13 =	vld [tilespmem:s22+$0xFBE0]  }
0x11d: {  	v4 =	vadd.f32 v4, v6;
	v5 =	vadd.f32 v5, v7;
	v6 =	vld [tilespmem:s22+$0xFBF0];
	s22 =	sshra.s32 s23, $0x2  }
0x11e: {  	v9 =	vadd.f32 v15, v9;
	v7 =	vld [tilespmem:s22+$0xFBC0];
	v10 =	vadd.f32 v10, v11  }
0x11f: {  	v4 =	vadd.f32 v2, v4;
	v5 =	vadd.f32 v3, v5;
	v11 =	vld [tilespmem:s22+$0xFBD0]  }
0x120: {  	v9 =	vadd.f32 v14, v9;
	v2 =	vld [tilespmem:s22+$0xFB80];
	v8 =	vadd.f32 v8, v10  }
0x121: {  	v12 =	vadd.f32 v0, v4;
	v15 =	vadd.f32 v1, v5;
	v3 =	vld [tilespmem:s22+$0xFB90]  }
0x122: {  	v14 =	vadd.f32 v13, v9;
	v4 =	vld [tilespmem:s22+$0xFB40];
	v13 =	vadd.f32 v6, v8  }
0x123: {  	v5 =	vld [tilespmem:s22+$0xFB50];
	v0 =	vmov v7  }
0x124: {  	v6 =	vld [tilespmem:s22+$0xFB00];
	v1 =	vmov v11  }
0x125: {  	v7 =	vld [tilespmem:s22+$0xFB10]  }
0x126: {  	v9 =	vld [tilespmem:s22+$0xFAC0]  }
0x127: {  	v8 =	vld [tilespmem:s22+$0xFAD0]  }
0x128: {  	v11 =	vld [tilespmem:s22+$0xFA80]  }
0x129: {  	v10 =	vld [tilespmem:s22+$0xFA90]  }
.Ltmp3:
0x12a: {  	v17 =	vld [tilespmem:s22+$0xFA40];
	(pc) =	sbr.rel @p0 .LBB2_9-.Ltmp3, $4  }
0x12b: {  	v16 =	vld [tilespmem:s22+$0xFA50]  }
0x12c: {  	v19 =	vld [tilespmem:s22+$0xFA00]  }
0x12d: {  	v20 =	vld [tilespmem:s22+$0xFA10]  }
0x12e: {  	s23 =	sadd.s32 $0x800, s23;
	v18 =	vld [tilespmem:s22+$0xFA20]  }
0x12f: {  	v21 =	vld [tilespmem:s22+$0xFA30]  }
0x130: {  	v22 =	vld [tilespmem:s22+$0xFA60]  }
0x131: {  	v23 =	vld [tilespmem:s22+$0xFA70];
	v12 =	vadd.f32 v19, v12  }
0x132: {  	v43 =	vld [tilespmem:s22+$0xFAA0];
	v15 =	vadd.f32 v20, v15  }
0x133: {  	v44 =	vld [tilespmem:s22+$0xFAB0];
	v14 =	vadd.f32 v18, v14;
	v12 =	vadd.f32 v17, v12  }
0x134: {  	v45 =	vld [tilespmem:s22+$0xFAE0];
	v13 =	vadd.f32 v21, v13;
	v15 =	vadd.f32 v16, v15  }
0x135: {  	v46 =	vld [tilespmem:s22+$0xFAF0];
	v14 =	vadd.f32 v22, v14;
	v11 =	vadd.f32 v11, v12  }
0x136: {  	v48 =	vld [tilespmem:s22+$0xFB20];
	v47 =	vadd.f32 v23, v13;
	v10 =	vadd.f32 v10, v15  }
0x137: {  	v49 =	vld [tilespmem:s22+$0xFB30];
	v14 =	vadd.f32 v43, v14;
	v9 =	vadd.f32 v9, v11  }
0x138: {  	v51 =	vld [tilespmem:s22+$0xFB60];
	v50 =	vadd.f32 v44, v47;
	v8 =	vadd.f32 v8, v10  }
0x139: {  	v52 =	vld [tilespmem:s22+$0xFB70];
	v14 =	vadd.f32 v45, v14;
	v6 =	vadd.f32 v6, v9  }
0x13a: {  	v54 =	vld [tilespmem:s22+$0xFBA0];
	v53 =	vadd.f32 v46, v50;
	v7 =	vadd.f32 v7, v8  }
0x13b: {  	v55 =	vld [tilespmem:s22+$0xFBB0];
	v13 =	vadd.f32 v48, v14;
	v4 =	vadd.f32 v4, v6  }
0x13c: {  	v57 =	vld [tilespmem:s22+$0xFBE0];
	v56 =	vadd.f32 v49, v53;
	v5 =	vadd.f32 v5, v7  }
0x13d: {  	v58 =	vld [tilespmem:s22+$0xFBF0];
	v12 =	vadd.f32 v51, v13;
	v2 =	vadd.f32 v2, v4  }
0x13e: {  	s20 =	sadd.s32 $0x1, s20;
	v59 =	vadd.f32 v52, v56;
	v3 =	vadd.f32 v3, v5  }
0x13f: {  	s21 =	sshll.u32 s21, $0x6;
	p0 =	sne.s32 s20, $0x20;
	v60 =	vadd.f32 v54, v12;
	v0 =	vadd.f32 v0, v2  }
.Ltmp4:
0x140: {  	s21 =	sand.u32 $0x3FFFFFC0, s21;
	v61 =	vadd.f32 v55, v59;
	v1 =	vadd.f32 v1, v3;
	(pc) =	sbr.rel @p0 .LBB2_2-.Ltmp4, $4  }
0x141: {  	v62 =	vadd.f32 v57, v60;
	[tilespmem:s21+$0x12C00] =	vst v0  }
0x142: {  	v63 =	vadd.f32 v58, v61;
	[tilespmem:s21+$0x12C10] =	vst v1  }
0x143: {  	[tilespmem:s21+$0x12C20] =	vst v62  }
0x144: {  	[tilespmem:s21+$0x12C30] =	vst v63  }
0x145: {  	s19 =	sadd.s32 $0x1, s19  }
0x146: {  	p0 =	sne.s32 s19, s6  }
.Ltmp5:
0x147: {  	_ = 	snop;
	(pc) =	sbr.rel @p0 .LBB2_1-.Ltmp5, $4  }
0x148: {  	[hbm4b:s5+s2] =	stream.linear.scatter [tilespmem:s18], [sflag:$0x5], $0x2000, $0x38;
	[tilespmem:$0x14C00] =	vst v63  }
0x149: {  	_ =	swait.ge [sflag:s7], $0x2000  }
0x14a: {  	[sflag:s7] =	ssyncset.done $0x0  }
0x14b: {  	[sflag:s7] =	ssyncadd.s32 $0xFFFFE000  }
0x14c: {  	_ =	sfence.sel $0x180000  }
0x14d: {  	[bflag:$0x0] =	sbarrier.arrive $0xFFFF  }
0x14e: {  	p0 =	sne.s32 s0, $0x0;
	_ =	strace $0x90000047  }
0x14f: {  	s0 =	sadd.s32 @!p0 $0x100000, s1;
	[bflag:$0x2] =	sbarrier.arrive $0xFFFF  }
0x150: {  	[sflag:s0] =	ssyncadd.tile.s32 @!p0 $0x1;
	_ =	shalt  }
.Lfunc_end2:
_tile_overlayer_lowered:
.L_overlay_start_2:
0x151: {  	(tag) =	ssettag $0x2  }
0x152: {  	s0 =	rddreg [dreg:$0x0];
	s2 =	stileid.u32  }
0x153: {  	s1 =	rddreg [dreg:$0x1];
	p0 =	sne.s32 s2, $0x0  }
0x154: {  	s3 =	rddreg [dreg:$0x2];
	[bflag:$0x3] =	sbarrier.arrive $0xFFFF;
	s2 =	simm.s32 @!p0 $0x1C05  }
0x155: {  	[timem:s3], [sflag:s2] =	dma.local @!p0 [hbm:s0], s1  }
0x156: {  	s0 =	simm.s32 @!p0 $0x5  }
0x157: {  	_ =	swait.ge @!p0 [sflag:s0], s1  }
0x158: {  	s1 =	ssub.s32 @!p0 $0x0, s1;
	[sflag:s0] =	ssyncset.done @!p0 $0x0  }
0x159: {  	[sflag:s0] =	ssyncadd.s32 @!p0 s1  }
0x15a: {  	[bflag:$0x3] =	sbarrier.arrive $0xFFFF  }
0x15b: {  	_ =	shalt  }

</sc_bundles>
